<compile_context>
chip_gen: v7x
topology: tpu7x:2x2x1
jax: 0.10.2.dev20260603
libtpu: 0.0.44.dev20260713+nightly
codegen_flags: <defaults>
</compile_context>

<pallas_src>
import functools

import jax
import jax.numpy as jnp
from jax import lax
from jax.experimental import pallas as pl
from jax.experimental.pallas import tpu as pltpu
from jax.experimental.pallas import tpu_sc as plsc

SEQ = 1024
SLEN = 50
SPAD = 56
DIM = 768
NW = 32
SEQ_PER_W = SEQ // NW

_mesh = plsc.VectorSubcoreMesh(core_axis_name="c", subcore_axis_name="s")


@functools.partial(
    pl.kernel,
    mesh=_mesh,
    out_type=jax.ShapeDtypeStruct((SEQ * SPAD, DIM), jnp.float32),
    scratch_types=[
        pltpu.VMEM((SEQ_PER_W * SPAD,), jnp.int32),
        pltpu.VMEM((SPAD, DIM), jnp.float32),
        pltpu.VMEM((SPAD, DIM), jnp.float32),
        pltpu.SemaphoreType.DMA,
        pltpu.SemaphoreType.DMA,
        pltpu.SemaphoreType.DMA,
        pltpu.SemaphoreType.DMA,
    ],
)
def _gather(table_hbm, idx_hbm, out_hbm, idx_v, rows0, rows1,
            gsem0, gsem1, osem0, osem1):
    wid = lax.axis_index("s") * 2 + lax.axis_index("c")
    base = wid * SEQ_PER_W
    pltpu.sync_copy(idx_hbm.at[pl.ds(base * SPAD, SEQ_PER_W * SPAD)], idx_v)

    bufs = (rows0, rows1)
    gsems = (gsem0, gsem1)
    osems = (osem0, osem1)

    def idx_slice(s):
        return idx_v.at[pl.ds(pl.multiple_of(s * SPAD, 8), SPAD)]

    def g_start(s, j):
        pltpu.async_copy(table_hbm.at[idx_slice(s)], bufs[j], gsems[j])

    def g_wait(s, j):
        pltpu.make_async_copy(table_hbm.at[idx_slice(s)], bufs[j], gsems[j]).wait()

    def ow_start(s, j):
        pltpu.async_copy(
            bufs[j],
            out_hbm.at[pl.ds(pl.multiple_of((base + s) * SPAD, 8), SPAD)],
            osems[j])

    def ow_wait(s, j):
        pltpu.make_async_copy(
            bufs[j],
            out_hbm.at[pl.ds(pl.multiple_of((base + s) * SPAD, 8), SPAD)],
            osems[j]).wait()

    g_start(0, 0)
    g_start(1, 1)

    def body(c2, _):
        s = c2 * 2
        for j in range(2):
            g_wait(s + j, j)
            ow_start(s + j, j)
        for j in range(2):
            ow_wait(s + j, j)
            g_start(s + 2 + j, j)
        return 0

    lax.fori_loop(0, SEQ_PER_W // 2 - 1, body, 0)

    s = SEQ_PER_W - 2
    for j in range(2):
        g_wait(s + j, j)
        ow_start(s + j, j)
    for j in range(2):
        ow_wait(s + j, j)


def kernel(x, embedding_weight):
    idx = jnp.pad(x, ((0, 0), (0, SPAD - SLEN))).reshape(-1)
    out = _gather(embedding_weight, idx)
    return out.reshape(SEQ, SPAD, DIM)[:, :SLEN, :]

# --- scband reference (transcript-rebuilt; emitter-appended) ---
"""Pipeline reference for scband-word-rep-66967130079342 (READ-ONLY COPY).

The authoritative reference and input builder live on the scoring server;
editing this copy changes nothing except your own understanding.
"""

import jax, jax.numpy as jnp
import numpy as np

VOCAB = 30522
DIM = 768

def setup_inputs(seed: int = 0) -> dict:
    key = jax.random.key(seed)
    k1, k2 = jax.random.split(key)
    x = jax.random.randint(k1, (1024, 50), 0, VOCAB, dtype=jnp.int32)
    table = jax.random.normal(k2, (VOCAB, DIM), dtype=jnp.float32)
    table = table.at[0].set(0.0)  # padding_idx=0
    return {"x": x, "embedding_weight": table}

def reference(x, embedding_weight):
    # features = [self.embedding(x)]; x = torch.cat(features, dim=2)
    feats = jnp.take(embedding_weight, x, axis=0)
    out = jnp.concatenate([feats], axis=2)
    # embed_drop is identity in eval mode
    return out

if __name__ == "__main__":
    import jax
    _d = setup_inputs()
    print(jax.jit(kernel)(*tuple(_d.values())))

</pallas_src>

<mosaic_0001>
#map = affine_map<(d0, d1) -> (0, 0)>
#map1 = affine_map<(d0, d1) -> (0)>
module attributes {stable_mosaic.version = 14 : i64} {
  func.func @_gather(%arg0: i32, %arg1: i32, %arg2: memref<30522x768xf32, #tpu.memory_space<hbm>>, %arg3: memref<57344xi32, #tpu.memory_space<hbm>>, %arg4: memref<57344x768xf32, #tpu.memory_space<hbm>>, %arg5: memref<1792xi32, #tpu.memory_space<vmem>>, %arg6: memref<56x768xf32, #tpu.memory_space<vmem>>, %arg7: memref<56x768xf32, #tpu.memory_space<vmem>>, %arg8: memref<!tpu.dma_semaphore, #tpu.memory_space<semaphore_mem>>, %arg9: memref<!tpu.dma_semaphore, #tpu.memory_space<semaphore_mem>>, %arg10: memref<!tpu.dma_semaphore, #tpu.memory_space<semaphore_mem>>, %arg11: memref<!tpu.dma_semaphore, #tpu.memory_space<semaphore_mem>>) attributes {dimension_semantics = [#tpu.dimension_semantics<core_parallel>, #tpu.dimension_semantics<subcore_parallel>], iteration_bounds = array<i64: 2, 16>, scalar_prefetch = 0 : i64, scratch_operands = 7 : i64, tpu.core_type = #tpu.core_type<sc_vector_subcore>, window_params = [{transform_indices = #map}, {transform_indices = #map1}, {transform_indices = #map}]} {
    %mul3A = arith.constant 2 : i32
    %mul3A_0 = arith.muli %arg1, %mul3A : i32
    %add3A = arith.addi %mul3A_0, %arg0 : i32
    %mul3A_1 = arith.constant 32 : i32
    %mul3A_2 = arith.muli %add3A, %mul3A_1 : i32
    %mul3A_3 = arith.constant 56 : i32
    %mul3A_4 = arith.muli %mul3A_2, %mul3A_3 : i32
    "tpu.region"() ({
      %run_scoped3A = tpu.sem_alloc : memref<!tpu.dma_semaphore, #tpu.memory_space<semaphore_mem>>
      %dma_start3A_68 = tpu.memref_slice %arg3[%mul3A_4] : memref<57344xi32, #tpu.memory_space<hbm>> -> memref<1792xi32, #tpu.memory_space<hbm>>
      %dma_start3A_69 = tpu.memref_slice %arg3[%mul3A_4] : memref<57344xi32, #tpu.memory_space<hbm>> -> memref<1792xi32, #tpu.memory_space<hbm>>
      tpu.enqueue_dma source(%dma_start3A_69 : memref<1792xi32, #tpu.memory_space<hbm>>) target(%arg5 : memref<1792xi32, #tpu.memory_space<vmem>>) target_semaphore(%run_scoped3A : memref<!tpu.dma_semaphore, #tpu.memory_space<semaphore_mem>>)
      %dma_wait3A_70 = tpu.memref_slice %arg3[%mul3A_4] : memref<57344xi32, #tpu.memory_space<hbm>> -> memref<1792xi32, #tpu.memory_space<hbm>>
      %dma_wait3A_71 = tpu.memref_slice %arg3[%mul3A_4] : memref<57344xi32, #tpu.memory_space<hbm>> -> memref<1792xi32, #tpu.memory_space<hbm>>
      tpu.wait_dma2 semaphore(%run_scoped3A : memref<!tpu.dma_semaphore, #tpu.memory_space<semaphore_mem>>) src(%dma_wait3A_71 : memref<1792xi32, #tpu.memory_space<hbm>>) dst(%arg5 : memref<1792xi32, #tpu.memory_space<vmem>>)
      tpu.yield
    }) : () -> ()
    %multiple_of3A = arith.constant 0 : i32
    %multiple_of3A_5 = tpu.assume_multiple %multiple_of3A, 8 : i32
    %dma_start3A = tpu.memref_slice %arg5[%multiple_of3A_5] : memref<1792xi32, #tpu.memory_space<vmem>> -> memref<56xi32, #tpu.memory_space<vmem>>
    %dma_start3A_6 = arith.constant 0 : i32
    %dma_start3A_7 = arith.constant 0 : i32
    %dma_start3A_8 = tpu.memref_slice %arg2[%dma_start3A_6, %dma_start3A_7] : memref<30522x768xf32, #tpu.memory_space<hbm>> -> memref<30522x768xf32, #tpu.memory_space<hbm>>
    tpu.enqueue_indirect_dma source(%dma_start3A_8 : memref<30522x768xf32, #tpu.memory_space<hbm>>) target(%arg6 : memref<56x768xf32, #tpu.memory_space<vmem>>) offsets(%dma_start3A : memref<56xi32, #tpu.memory_space<vmem>>) semaphore(%arg8 : memref<!tpu.dma_semaphore, #tpu.memory_space<semaphore_mem>>)
    %multiple_of3A_9 = arith.constant 56 : i32
    %multiple_of3A_10 = tpu.assume_multiple %multiple_of3A_9, 8 : i32
    %dma_start3A_11 = tpu.memref_slice %arg5[%multiple_of3A_10] : memref<1792xi32, #tpu.memory_space<vmem>> -> memref<56xi32, #tpu.memory_space<vmem>>
    %dma_start3A_12 = arith.constant 0 : i32
    %dma_start3A_13 = arith.constant 0 : i32
    %dma_start3A_14 = tpu.memref_slice %arg2[%dma_start3A_12, %dma_start3A_13] : memref<30522x768xf32, #tpu.memory_space<hbm>> -> memref<30522x768xf32, #tpu.memory_space<hbm>>
    tpu.enqueue_indirect_dma source(%dma_start3A_14 : memref<30522x768xf32, #tpu.memory_space<hbm>>) target(%arg7 : memref<56x768xf32, #tpu.memory_space<vmem>>) offsets(%dma_start3A_11 : memref<56xi32, #tpu.memory_space<vmem>>) semaphore(%arg9 : memref<!tpu.dma_semaphore, #tpu.memory_space<semaphore_mem>>)
    %scan3A = arith.constant 0 : i32
    %scan3A_15 = arith.constant 0 : i32
    %scan3A_16 = arith.constant 15 : i32
    %scan3A_17 = arith.addi %scan3A_15, %scan3A_16 : i32
    %scan3A_18 = arith.constant 1 : i32
    %scan3A_19 = scf.for %scan3A_68 = %scan3A_15 to %scan3A_17 step %scan3A_18 iter_args(%scan3A_69 = %scan3A) -> (i32)  : i32 {
      %mul3A_70 = arith.constant 2 : i32
      %mul3A_71 = arith.muli %scan3A_68, %mul3A_70 : i32
      %add3A_72 = arith.constant 0 : i32
      %add3A_73 = arith.addi %mul3A_71, %add3A_72 : i32
      %mul3A_74 = arith.constant 56 : i32
      %mul3A_75 = arith.muli %add3A_73, %mul3A_74 : i32
      %multiple_of3A_76 = tpu.assume_multiple %mul3A_75, 8 : i32
      %dma_wait3A_77 = tpu.memref_slice %arg5[%multiple_of3A_76] : memref<1792xi32, #tpu.memory_space<vmem>> -> memref<56xi32, #tpu.memory_space<vmem>>
      %dma_wait3A_78 = arith.constant 0 : i32
      %dma_wait3A_79 = arith.constant 0 : i32
      %dma_wait3A_80 = tpu.memref_slice %arg2[%dma_wait3A_78, %dma_wait3A_79] : memref<30522x768xf32, #tpu.memory_space<hbm>> -> memref<30522x768xf32, #tpu.memory_space<hbm>>
      tpu.wait_indirect_dma semaphore(%arg8 : memref<!tpu.dma_semaphore, #tpu.memory_space<semaphore_mem>>) src(%dma_wait3A_80 : memref<30522x768xf32, #tpu.memory_space<hbm>>) dst(%arg6 : memref<56x768xf32, #tpu.memory_space<vmem>>)
      %add3A_81 = arith.constant 0 : i32
      %add3A_82 = arith.addi %mul3A_71, %add3A_81 : i32
      %add3A_83 = arith.addi %mul3A_2, %add3A_82 : i32
      %mul3A_84 = arith.constant 56 : i32
      %mul3A_85 = arith.muli %add3A_83, %mul3A_84 : i32
      %multiple_of3A_86 = tpu.assume_multiple %mul3A_85, 8 : i32
      %dma_start3A_87 = arith.constant 0 : i32
      %dma_start3A_88 = tpu.memref_slice %arg4[%multiple_of3A_86, %dma_start3A_87] : memref<57344x768xf32, #tpu.memory_space<hbm>> -> memref<56x768xf32, #tpu.memory_space<hbm>>
      %dma_start3A_89 = arith.constant 0 : i32
      %dma_start3A_90 = tpu.memref_slice %arg4[%multiple_of3A_86, %dma_start3A_89] : memref<57344x768xf32, #tpu.memory_space<hbm>> -> memref<56x768xf32, #tpu.memory_space<hbm>>
      tpu.enqueue_dma source(%arg6 : memref<56x768xf32, #tpu.memory_space<vmem>>) target(%dma_start3A_90 : memref<56x768xf32, #tpu.memory_space<hbm>>) target_semaphore(%arg10 : memref<!tpu.dma_semaphore, #tpu.memory_space<semaphore_mem>>)
      %add3A_91 = arith.constant 1 : i32
      %add3A_92 = arith.addi %mul3A_71, %add3A_91 : i32
      %mul3A_93 = arith.constant 56 : i32
      %mul3A_94 = arith.muli %add3A_92, %mul3A_93 : i32
      %multiple_of3A_95 = tpu.assume_multiple %mul3A_94, 8 : i32
      %dma_wait3A_96 = tpu.memref_slice %arg5[%multiple_of3A_95] : memref<1792xi32, #tpu.memory_space<vmem>> -> memref<56xi32, #tpu.memory_space<vmem>>
      %dma_wait3A_97 = arith.constant 0 : i32
      %dma_wait3A_98 = arith.constant 0 : i32
      %dma_wait3A_99 = tpu.memref_slice %arg2[%dma_wait3A_97, %dma_wait3A_98] : memref<30522x768xf32, #tpu.memory_space<hbm>> -> memref<30522x768xf32, #tpu.memory_space<hbm>>
      tpu.wait_indirect_dma semaphore(%arg9 : memref<!tpu.dma_semaphore, #tpu.memory_space<semaphore_mem>>) src(%dma_wait3A_99 : memref<30522x768xf32, #tpu.memory_space<hbm>>) dst(%arg7 : memref<56x768xf32, #tpu.memory_space<vmem>>)
      %add3A_100 = arith.constant 1 : i32
      %add3A_101 = arith.addi %mul3A_71, %add3A_100 : i32
      %add3A_102 = arith.addi %mul3A_2, %add3A_101 : i32
      %mul3A_103 = arith.constant 56 : i32
      %mul3A_104 = arith.muli %add3A_102, %mul3A_103 : i32
      %multiple_of3A_105 = tpu.assume_multiple %mul3A_104, 8 : i32
      %dma_start3A_106 = arith.constant 0 : i32
      %dma_start3A_107 = tpu.memref_slice %arg4[%multiple_of3A_105, %dma_start3A_106] : memref<57344x768xf32, #tpu.memory_space<hbm>> -> memref<56x768xf32, #tpu.memory_space<hbm>>
      %dma_start3A_108 = arith.constant 0 : i32
      %dma_start3A_109 = tpu.memref_slice %arg4[%multiple_of3A_105, %dma_start3A_108] : memref<57344x768xf32, #tpu.memory_space<hbm>> -> memref<56x768xf32, #tpu.memory_space<hbm>>
      tpu.enqueue_dma source(%arg7 : memref<56x768xf32, #tpu.memory_space<vmem>>) target(%dma_start3A_109 : memref<56x768xf32, #tpu.memory_space<hbm>>) target_semaphore(%arg11 : memref<!tpu.dma_semaphore, #tpu.memory_space<semaphore_mem>>)
      %add3A_110 = arith.constant 0 : i32
      %add3A_111 = arith.addi %mul3A_71, %add3A_110 : i32
      %add3A_112 = arith.addi %mul3A_2, %add3A_111 : i32
      %mul3A_113 = arith.constant 56 : i32
      %mul3A_114 = arith.muli %add3A_112, %mul3A_113 : i32
      %multiple_of3A_115 = tpu.assume_multiple %mul3A_114, 8 : i32
      %dma_wait3A_116 = arith.constant 0 : i32
      %dma_wait3A_117 = tpu.memref_slice %arg4[%multiple_of3A_115, %dma_wait3A_116] : memref<57344x768xf32, #tpu.memory_space<hbm>> -> memref<56x768xf32, #tpu.memory_space<hbm>>
      %dma_wait3A_118 = arith.constant 0 : i32
      %dma_wait3A_119 = tpu.memref_slice %arg4[%multiple_of3A_115, %dma_wait3A_118] : memref<57344x768xf32, #tpu.memory_space<hbm>> -> memref<56x768xf32, #tpu.memory_space<hbm>>
      tpu.wait_dma2 semaphore(%arg10 : memref<!tpu.dma_semaphore, #tpu.memory_space<semaphore_mem>>) src(%arg6 : memref<56x768xf32, #tpu.memory_space<vmem>>) dst(%dma_wait3A_119 : memref<56x768xf32, #tpu.memory_space<hbm>>)
      %add3A_120 = arith.constant 2 : i32
      %add3A_121 = arith.addi %mul3A_71, %add3A_120 : i32
      %add3A_122 = arith.constant 0 : i32
      %add3A_123 = arith.addi %add3A_121, %add3A_122 : i32
      %mul3A_124 = arith.constant 56 : i32
      %mul3A_125 = arith.muli %add3A_123, %mul3A_124 : i32
      %multiple_of3A_126 = tpu.assume_multiple %mul3A_125, 8 : i32
      %dma_start3A_127 = tpu.memref_slice %arg5[%multiple_of3A_126] : memref<1792xi32, #tpu.memory_space<vmem>> -> memref<56xi32, #tpu.memory_space<vmem>>
      %dma_start3A_128 = arith.constant 0 : i32
      %dma_start3A_129 = arith.constant 0 : i32
      %dma_start3A_130 = tpu.memref_slice %arg2[%dma_start3A_128, %dma_start3A_129] : memref<30522x768xf32, #tpu.memory_space<hbm>> -> memref<30522x768xf32, #tpu.memory_space<hbm>>
      tpu.enqueue_indirect_dma source(%dma_start3A_130 : memref<30522x768xf32, #tpu.memory_space<hbm>>) target(%arg6 : memref<56x768xf32, #tpu.memory_space<vmem>>) offsets(%dma_start3A_127 : memref<56xi32, #tpu.memory_space<vmem>>) semaphore(%arg8 : memref<!tpu.dma_semaphore, #tpu.memory_space<semaphore_mem>>)
      %add3A_131 = arith.constant 1 : i32
      %add3A_132 = arith.addi %mul3A_71, %add3A_131 : i32
      %add3A_133 = arith.addi %mul3A_2, %add3A_132 : i32
      %mul3A_134 = arith.constant 56 : i32
      %mul3A_135 = arith.muli %add3A_133, %mul3A_134 : i32
      %multiple_of3A_136 = tpu.assume_multiple %mul3A_135, 8 : i32
      %dma_wait3A_137 = arith.constant 0 : i32
      %dma_wait3A_138 = tpu.memref_slice %arg4[%multiple_of3A_136, %dma_wait3A_137] : memref<57344x768xf32, #tpu.memory_space<hbm>> -> memref<56x768xf32, #tpu.memory_space<hbm>>
      %dma_wait3A_139 = arith.constant 0 : i32
      %dma_wait3A_140 = tpu.memref_slice %arg4[%multiple_of3A_136, %dma_wait3A_139] : memref<57344x768xf32, #tpu.memory_space<hbm>> -> memref<56x768xf32, #tpu.memory_space<hbm>>
      tpu.wait_dma2 semaphore(%arg11 : memref<!tpu.dma_semaphore, #tpu.memory_space<semaphore_mem>>) src(%arg7 : memref<56x768xf32, #tpu.memory_space<vmem>>) dst(%dma_wait3A_140 : memref<56x768xf32, #tpu.memory_space<hbm>>)
      %add3A_141 = arith.constant 2 : i32
      %add3A_142 = arith.addi %mul3A_71, %add3A_141 : i32
      %add3A_143 = arith.constant 1 : i32
      %add3A_144 = arith.addi %add3A_142, %add3A_143 : i32
      %mul3A_145 = arith.constant 56 : i32
      %mul3A_146 = arith.muli %add3A_144, %mul3A_145 : i32
      %multiple_of3A_147 = tpu.assume_multiple %mul3A_146, 8 : i32
      %dma_start3A_148 = tpu.memref_slice %arg5[%multiple_of3A_147] : memref<1792xi32, #tpu.memory_space<vmem>> -> memref<56xi32, #tpu.memory_space<vmem>>
      %dma_start3A_149 = arith.constant 0 : i32
      %dma_start3A_150 = arith.constant 0 : i32
      %dma_start3A_151 = tpu.memref_slice %arg2[%dma_start3A_149, %dma_start3A_150] : memref<30522x768xf32, #tpu.memory_space<hbm>> -> memref<30522x768xf32, #tpu.memory_space<hbm>>
      tpu.enqueue_indirect_dma source(%dma_start3A_151 : memref<30522x768xf32, #tpu.memory_space<hbm>>) target(%arg7 : memref<56x768xf32, #tpu.memory_space<vmem>>) offsets(%dma_start3A_148 : memref<56xi32, #tpu.memory_space<vmem>>) semaphore(%arg9 : memref<!tpu.dma_semaphore, #tpu.memory_space<semaphore_mem>>)
      %scan3A_152 = arith.constant 0 : i32
      scf.yield %scan3A_152 : i32
    }
    %scan3A_20 = arith.constant 15 : i32
    %multiple_of3A_21 = arith.constant 1680 : i32
    %multiple_of3A_22 = tpu.assume_multiple %multiple_of3A_21, 8 : i32
    %dma_wait3A = tpu.memref_slice %arg5[%multiple_of3A_22] : memref<1792xi32, #tpu.memory_space<vmem>> -> memref<56xi32, #tpu.memory_space<vmem>>
    %dma_wait3A_23 = arith.constant 0 : i32
    %dma_wait3A_24 = arith.constant 0 : i32
    %dma_wait3A_25 = tpu.memref_slice %arg2[%dma_wait3A_23, %dma_wait3A_24] : memref<30522x768xf32, #tpu.memory_space<hbm>> -> memref<30522x768xf32, #tpu.memory_space<hbm>>
    tpu.wait_indirect_dma semaphore(%arg8 : memref<!tpu.dma_semaphore, #tpu.memory_space<semaphore_mem>>) src(%dma_wait3A_25 : memref<30522x768xf32, #tpu.memory_space<hbm>>) dst(%arg6 : memref<56x768xf32, #tpu.memory_space<vmem>>)
    %add3A_26 = arith.constant 30 : i32
    %add3A_27 = arith.addi %mul3A_2, %add3A_26 : i32
    %mul3A_28 = arith.constant 56 : i32
    %mul3A_29 = arith.muli %add3A_27, %mul3A_28 : i32
    %multiple_of3A_30 = tpu.assume_multiple %mul3A_29, 8 : i32
    %dma_start3A_31 = arith.constant 0 : i32
    %dma_start3A_32 = tpu.memref_slice %arg4[%multiple_of3A_30, %dma_start3A_31] : memref<57344x768xf32, #tpu.memory_space<hbm>> -> memref<56x768xf32, #tpu.memory_space<hbm>>
    %dma_start3A_33 = arith.constant 0 : i32
    %dma_start3A_34 = tpu.memref_slice %arg4[%multiple_of3A_30, %dma_start3A_33] : memref<57344x768xf32, #tpu.memory_space<hbm>> -> memref<56x768xf32, #tpu.memory_space<hbm>>
    tpu.enqueue_dma source(%arg6 : memref<56x768xf32, #tpu.memory_space<vmem>>) target(%dma_start3A_34 : memref<56x768xf32, #tpu.memory_space<hbm>>) target_semaphore(%arg10 : memref<!tpu.dma_semaphore, #tpu.memory_space<semaphore_mem>>)
    %multiple_of3A_35 = arith.constant 1736 : i32
    %multiple_of3A_36 = tpu.assume_multiple %multiple_of3A_35, 8 : i32
    %dma_wait3A_37 = tpu.memref_slice %arg5[%multiple_of3A_36] : memref<1792xi32, #tpu.memory_space<vmem>> -> memref<56xi32, #tpu.memory_space<vmem>>
    %dma_wait3A_38 = arith.constant 0 : i32
    %dma_wait3A_39 = arith.constant 0 : i32
    %dma_wait3A_40 = tpu.memref_slice %arg2[%dma_wait3A_38, %dma_wait3A_39] : memref<30522x768xf32, #tpu.memory_space<hbm>> -> memref<30522x768xf32, #tpu.memory_space<hbm>>
    tpu.wait_indirect_dma semaphore(%arg9 : memref<!tpu.dma_semaphore, #tpu.memory_space<semaphore_mem>>) src(%dma_wait3A_40 : memref<30522x768xf32, #tpu.memory_space<hbm>>) dst(%arg7 : memref<56x768xf32, #tpu.memory_space<vmem>>)
    %add3A_41 = arith.constant 31 : i32
    %add3A_42 = arith.addi %mul3A_2, %add3A_41 : i32
    %mul3A_43 = arith.constant 56 : i32
    %mul3A_44 = arith.muli %add3A_42, %mul3A_43 : i32
    %multiple_of3A_45 = tpu.assume_multiple %mul3A_44, 8 : i32
    %dma_start3A_46 = arith.constant 0 : i32
    %dma_start3A_47 = tpu.memref_slice %arg4[%multiple_of3A_45, %dma_start3A_46] : memref<57344x768xf32, #tpu.memory_space<hbm>> -> memref<56x768xf32, #tpu.memory_space<hbm>>
    %dma_start3A_48 = arith.constant 0 : i32
    %dma_start3A_49 = tpu.memref_slice %arg4[%multiple_of3A_45, %dma_start3A_48] : memref<57344x768xf32, #tpu.memory_space<hbm>> -> memref<56x768xf32, #tpu.memory_space<hbm>>
    tpu.enqueue_dma source(%arg7 : memref<56x768xf32, #tpu.memory_space<vmem>>) target(%dma_start3A_49 : memref<56x768xf32, #tpu.memory_space<hbm>>) target_semaphore(%arg11 : memref<!tpu.dma_semaphore, #tpu.memory_space<semaphore_mem>>)
    %add3A_50 = arith.constant 30 : i32
    %add3A_51 = arith.addi %mul3A_2, %add3A_50 : i32
    %mul3A_52 = arith.constant 56 : i32
    %mul3A_53 = arith.muli %add3A_51, %mul3A_52 : i32
    %multiple_of3A_54 = tpu.assume_multiple %mul3A_53, 8 : i32
    %dma_wait3A_55 = arith.constant 0 : i32
    %dma_wait3A_56 = tpu.memref_slice %arg4[%multiple_of3A_54, %dma_wait3A_55] : memref<57344x768xf32, #tpu.memory_space<hbm>> -> memref<56x768xf32, #tpu.memory_space<hbm>>
    %dma_wait3A_57 = arith.constant 0 : i32
    %dma_wait3A_58 = tpu.memref_slice %arg4[%multiple_of3A_54, %dma_wait3A_57] : memref<57344x768xf32, #tpu.memory_space<hbm>> -> memref<56x768xf32, #tpu.memory_space<hbm>>
    tpu.wait_dma2 semaphore(%arg10 : memref<!tpu.dma_semaphore, #tpu.memory_space<semaphore_mem>>) src(%arg6 : memref<56x768xf32, #tpu.memory_space<vmem>>) dst(%dma_wait3A_58 : memref<56x768xf32, #tpu.memory_space<hbm>>)
    %add3A_59 = arith.constant 31 : i32
    %add3A_60 = arith.addi %mul3A_2, %add3A_59 : i32
    %mul3A_61 = arith.constant 56 : i32
    %mul3A_62 = arith.muli %add3A_60, %mul3A_61 : i32
    %multiple_of3A_63 = tpu.assume_multiple %mul3A_62, 8 : i32
    %dma_wait3A_64 = arith.constant 0 : i32
    %dma_wait3A_65 = tpu.memref_slice %arg4[%multiple_of3A_63, %dma_wait3A_64] : memref<57344x768xf32, #tpu.memory_space<hbm>> -> memref<56x768xf32, #tpu.memory_space<hbm>>
    %dma_wait3A_66 = arith.constant 0 : i32
    %dma_wait3A_67 = tpu.memref_slice %arg4[%multiple_of3A_63, %dma_wait3A_66] : memref<57344x768xf32, #tpu.memory_space<hbm>> -> memref<56x768xf32, #tpu.memory_space<hbm>>
    tpu.wait_dma2 semaphore(%arg11 : memref<!tpu.dma_semaphore, #tpu.memory_space<semaphore_mem>>) src(%arg7 : memref<56x768xf32, #tpu.memory_space<vmem>>) dst(%dma_wait3A_67 : memref<56x768xf32, #tpu.memory_space<hbm>>)
    return
  }
}

</mosaic_0001>

<sc_bundles>
// kernel: kernel.3.cloned.1.call-start
scs
__scs_entry_jumppad:
0x0: {  	(pc) =	sbr.rel $0x88, $3  }
0x1: {  	(tag) =	ssettag $0x0;
	lr =	simm.s32 $0x1  }
0x2: {  	[smem:$0x3F9F] =	sst lr;
	_ =	strace $0xD0000000  }
0x3: {  	_ = 	snop  }
0x4: {  	_ = 	snop  }
0x5: {  	_ = 	snop  }
0x6: {  	_ = 	snop  }
0x7: {  	_ = 	snop  }
__scs_overlays_trampoline_lowered:
0x8: {  	[smem:$0x3FAE] =	sst s0  }
0x9: {  	[smem:$0x3FAF] =	sst s1  }
0xa: {  	[smem:$0x3FB0] =	sst s2  }
0xb: {  	[smem:$0x3FB1] =	sst s3  }
0xc: {  	[smem:$0x3FB2] =	sst s4  }
0xd: {  	[smem:$0x3FB3] =	sst s5  }
0xe: {  	[smem:$0x3FB4] =	sst s6  }
0xf: {  	[smem:$0x3FB5] =	sst s7  }
0x10: {  	[smem:$0x3FB6] =	sst s8  }
0x11: {  	[smem:$0x3FB7] =	sst s9;
	s0 =	simm.s32 @!p0 $0x0  }
0x12: {  	s1 =	sld [smem:$0x3F9D];
	s0 =	simm.s32 @p0 $0x1  }
0x13: {  	[smem:$0x3FB8] =	sst s0;
	s0 =	simm.s32 @!p1 $0x0  }
0x14: {  	s2 =	sld [smem:$0x3F9C];
	s0 =	simm.s32 @p1 $0x1  }
0x15: {  	[smem:$0x3FB9] =	sst s0;
	s0 =	simm.s32 @!p2 $0x0  }
0x16: {  	s3 =	sld [smem:$0x3FDB];
	s0 =	simm.s32 @p2 $0x1  }
0x17: {  	s4 =	simm.s32 $0x1BF5;
	[smem:$0x3FBB] =	sst s0  }
0x18: {  	s0 =	sld [smem:$0x3F9E];
	_ =	swait.ge [sflag:s4], $0x0  }
0x19: {  	s7 =	sld [smem:$0x3F9F]  }
0x1a: {  	s8 =	sadd.s32 $0xFFFFE003, lr  }
0x1b: {  	s9 =	sadd.s32 $0xFFFFFEF7, lr;
	s5 =	simm.s32 $0xFFFFFFFF;
	p2 =	slt.u32 s8, $0xFFFFF086  }
0x1c: {  	p1 =	slt.u32 s9, $0xF7A;
	s5 =	simm.s32 @!p2 $0x0  }
0x1d: {  	s5 =	simm.s32 @p1 $0x1;
	p0 =	seq.s32 s7, s2  }
0x1e: {  	s7 =	smul.u32 @!p0 $0xF7A, s2;
	p2 =	seq.s32 @!p0 s5, $0x0  }
0x1f: {  	s9 =	smul.u32 $0xF7A, s1;
	s8 =	simm.s32 @!p0 $0x1BF5;
	p2 =	por !p2, p0  }
0x20: {  	[sflag:s8] =	ssyncset.s32 @!p0 $0xFFFFF086;
	s6 =	sadd.s32 @!p0 s3, s7;
	s7 =	simm.s32 @!p0 $0x108  }
0x21: {  	s3 =	sadd.s32 s3, s9;
	s6 =	sadd.s32 @!p0 $0x88, s6;
	s7 =	simm.s32 @p2 $0x1082  }
0x22: {  	[simem:s7], [sflag:s8] =	dma.local @!p0 [hbm:s6], $0xF7A  }
0x23: {  	s9 =	sor.u32 $0xD0000000, s2;
	s6 =	simm.s32 $0x108;
	_ =	swait.ge @!p0 [sflag:s8], $0x0  }
0x24: {  	s3 =	sadd.s32 $0x88, s3;
	s6 =	simm.s32 @!p1 $0x1082;
	[sflag:s4] =	ssyncset.s32 $0xFFFFF086  }
0x25: {  	[simem:s6], [sflag:s4] =	dma.local [hbm:s3], $0xF7A  }
0x26: {  	[smem:$0x3F9F] =	sst s1;
	(tag) =	ssettag s2;
	_ =	strace s9  }
0x27: {  	s1 =	sld [smem:$0x3FAF]  }
0x28: {  	s2 =	sld [smem:$0x3FB0]  }
0x29: {  	s4 =	sld [smem:$0x3FB2]  }
0x2a: {  	p0 =	seq.s32 s5, $0x0;
	s5 =	sld [smem:$0x3FB3]  }
0x2b: {  	s6 =	sld [smem:$0x3FB4]  }
0x2c: {  	s7 =	sld [smem:$0x3FB5]  }
0x2d: {  	s3 =	simm.s32 $0x108;
	s8 =	sld [smem:$0x3FB6]  }
0x2e: {  	s3 =	simm.s32 @!p0 $0x1082;
	s9 =	sld [smem:$0x3FB7]  }
0x2f: {  	lr =	sadd.s32 s0, s3;
	s0 =	sld [smem:$0x3FAE]  }
0x30: {  	s3 =	sld [smem:$0x3FB1]  }
0x31: {  	[smem:$0x3FBA] =	sst s10  }
0x32: {  	s10 =	sld [smem:$0x3FB8];
	_ =	sdelay $0x3  }
0x33: {  	p0 =	seq.s32 s10, $0x1;
	s10 =	sld [smem:$0x3FBA];
	_ =	sdelay $0x3  }
0x34: {  	[smem:$0x3FBA] =	sst s10  }
0x35: {  	s10 =	sld [smem:$0x3FB9];
	_ =	sdelay $0x3  }
0x36: {  	p1 =	seq.s32 s10, $0x1;
	s10 =	sld [smem:$0x3FBA];
	_ =	sdelay $0x3  }
0x37: {  	[smem:$0x3FBA] =	sst s10  }
0x38: {  	s10 =	sld [smem:$0x3FBB]  }
0x39: {  	_ = 	snop;
	(pc) =	sbr.ind lr, $3  }
0x3a: {  	_ = 	snop  }
0x3b: {  	_ = 	snop  }
0x3c: {  	p2 =	seq.s32 s10, $0x1;
	s10 =	sld [smem:$0x3FBA]  }
0x3d: {  	_ =	shalt  }
0x3e: {  	_ =	shalt  }
0x3f: {  	_ =	shalt  }
0x40: {  	_ =	shalt  }
0x41: {  	_ =	shalt  }
0x42: {  	_ =	shalt  }
0x43: {  	_ =	shalt  }
0x44: {  	_ =	shalt  }
0x45: {  	_ =	shalt  }
0x46: {  	_ =	shalt  }
0x47: {  	_ =	shalt  }
0x48: {  	_ =	shalt  }
0x49: {  	_ =	shalt  }
0x4a: {  	_ =	shalt  }
0x4b: {  	_ =	shalt  }
0x4c: {  	_ =	shalt  }
0x4d: {  	_ =	shalt  }
0x4e: {  	_ =	shalt  }
0x4f: {  	_ =	shalt  }
0x50: {  	_ =	shalt  }
0x51: {  	_ =	shalt  }
0x52: {  	_ =	shalt  }
0x53: {  	_ =	shalt  }
0x54: {  	_ =	shalt  }
0x55: {  	_ =	shalt  }
0x56: {  	_ =	shalt  }
0x57: {  	_ =	shalt  }
0x58: {  	_ =	shalt  }
0x59: {  	_ =	shalt  }
0x5a: {  	_ =	shalt  }
0x5b: {  	_ =	shalt  }
0x5c: {  	_ =	shalt  }
0x5d: {  	_ =	shalt  }
0x5e: {  	_ =	shalt  }
0x5f: {  	_ =	shalt  }
0x60: {  	_ =	shalt  }
0x61: {  	_ =	shalt  }
0x62: {  	_ =	shalt  }
0x63: {  	_ =	shalt  }
0x64: {  	_ =	shalt  }
0x65: {  	_ =	shalt  }
0x66: {  	_ =	shalt  }
0x67: {  	_ =	shalt  }
0x68: {  	_ =	shalt  }
0x69: {  	_ =	shalt  }
0x6a: {  	_ =	shalt  }
0x6b: {  	_ =	shalt  }
0x6c: {  	_ =	shalt  }
0x6d: {  	_ =	shalt  }
0x6e: {  	_ =	shalt  }
0x6f: {  	_ =	shalt  }
0x70: {  	_ =	shalt  }
0x71: {  	_ =	shalt  }
0x72: {  	_ =	shalt  }
0x73: {  	_ =	shalt  }
0x74: {  	_ =	shalt  }
0x75: {  	_ =	shalt  }
0x76: {  	_ =	shalt  }
0x77: {  	_ =	shalt  }
0x78: {  	_ =	shalt  }
0x79: {  	_ =	shalt  }
0x7a: {  	_ =	shalt  }
0x7b: {  	_ =	shalt  }
0x7c: {  	_ =	shalt  }
0x7d: {  	_ =	shalt  }
0x7e: {  	_ =	shalt  }
0x7f: {  	_ =	shalt  }
0x80: {  	_ =	shalt  }
0x81: {  	_ =	shalt  }
0x82: {  	_ =	shalt  }
0x83: {  	_ =	shalt  }
0x84: {  	_ =	shalt  }
0x85: {  	_ =	shalt  }
0x86: {  	_ =	shalt  }
0x87: {  	_ =	shalt  }
.Lfunc_end0:
.L_simem_size_0:
called_computation.1_lowered:
.L_overlay_start_0:
0x88: {  	s2 =	sld [smem:$0x3FD9]  }
0x89: {  	s3 =	sld [smem:$0x3FFE];
	_ =	sdelay $0x1  }
0x8a: {  	s1 =	srdreg.scid  }
0x8b: {  	s0 =	sand.u32 $0x1, s1  }
0x8c: {  	s17 =	sshll.u32 s0, $0xA;
	s2 =	sadd.s32 s3, s2  }
0x8d: {  	s2 =	sadd.s32 s2, s17  }
0x8e: {  	[smem:$0x3FC6] =	sst s2  }
0x8f: {  	_ = 	snop  }
0x90: {  	s2 =	sld [smem:$0x3FC8]  }
0x91: {  	s18 =	sld [smem:$0x3FD0];
	(tm) =	ssettm $0x1  }
0x92: {  	s4 =	sld [smem:$0x3FFB];
	_ =	sdelay $0x3  }
0x93: {  	_ =	strace s4  }
0x94: {  	s4 =	sld [smem:$0x3FFC];
	_ =	sdelay $0x3  }
0x95: {  	_ =	strace s4  }
0x96: {  	s4 =	sld [smem:$0x3FFD];
	_ =	sdelay $0x3  }
0x97: {  	_ =	strace s4  }
0x98: {  	_ =	strace $0x8FFFFFFF  }
0x99: {  	s19 =	sld [smem:$0x3FDB];
	_ =	sdelay $0x1  }
0x9a: {  	s5 =	simm.s32 $_scs_section_size  }
0x9b: {  	s6 =	simm.s32 $_size__tile_overlayer_lowered;
	s7 =	simm.s32 $_tile_overlayer_lowered  }
0x9c: {  	s22 =	simm.s32 $0x1BFF;
	s21 =	sshll.u32 s7, $0x1;
	s4 =	sadd.s32 s5, s19  }
0x9d: {  	s8 =	simm.s32 $0x0;
	s20 =	sshll.u32 s6, $0x1;
	s6 =	sadd.s32 s21, s4  }
0x9e: {  	[timem:s8], [sflag:s22] =	dma.local [hbm:s6], s20  }
0x9f: {  	_ =	swait.ge [sflag:s22], s20  }
0xa0: {  	s5 =	ssub.s32 $0x0, s20;
	[sflag:s22] =	ssyncset.done $0x0  }
0xa1: {  	[sflag:s22] =	ssyncadd.s32 s5;
	_ =	sdelay $0x1  }
0xa2: {  	s23 =	simm.s32 $0x1B8B  }
0xa3: {  	_ =	swait.ge [sflag:s23], $0x1  }
0xa4: {  	[sflag:s23] =	ssyncset.done $0x0  }
0xa5: {  	s25 =	simm.s32 $0x1B8E;
	s24 =	sld [smem:$0x3FFE];
	[sflag:s23] =	ssyncadd.s32 $0xFFFFFFFF  }
0xa6: {  	s26 =	simm.s32 $execute0_lowered;
	[smem:$0x3FD2] =	sst s25  }
0xa7: {  	s6 =	sshll.u32 s26, $0x1;
	_ =	strace $0x80000046;
	[dreg:$0x1] =	wrdreg $0xFFFFFFFF  }
0xa8: {  	s28 =	simm.s32 $_size_execute0_lowered;
	s4 =	sadd.s32 s4, s6;
	[dreg:$0x0] =	wrdreg $0x0  }
0xa9: {  	s6 =	sshll.u32 s28, $0x1;
	[dreg:$0x2] =	wrdreg s4  }
0xaa: {  	[dreg:$0x3] =	wrdreg s6  }
0xab: {  	[dreg:$0x4] =	wrdreg $0xC0  }
0xac: {  	_ =	task [dreg:s8], $0x5FFFF  }
0xad: {  	[dreg:$0x1] =	wrdreg $0xFFFFFFFF  }
0xae: {  	[dreg:$0x0] =	wrdreg $0x60  }
0xaf: {  	[dreg:$0x2] =	wrdreg s2  }
0xb0: {  	[dreg:$0x3] =	wrdreg s18  }
0xb1: {  	[dreg:$0x4] =	wrdreg s24  }
0xb2: {  	[dreg:$0x5] =	wrdreg $0x9  }
0xb3: {  	_ =	task.clear_ibuf [dreg:s8], $0x6FFFF;
	_ =	strace $0x90000046  }
0xb4: {  	s29 =	simm.s32 $0x9;
	_ =	strace $0x80000048  }
0xb5: {  	_ =	swait.ge [sflag:s29], $0x1  }
0xb6: {  	[sflag:s29] =	ssyncadd.s32 $0xFFFFFFFF  }
0xb7: {  	_ =	strace $0x90000048  }
0xb8: {  	_ =	sfence  }
0xb9: {  	s30 =	sld [smem:$0x0];
	_ =	sdelay $0x2  }
0xba: {  	s31 =	sshll.u32 s1, $0xD;
	s1 =	sshrl.u32 s1, $0x2  }
0xbb: {  	s3 =	sand.u32 $0x4000, s31;
	s1 =	sadd.s32 s1, s30  }
0xbc: {  	s0 =	sor.u32 s3, s0;
	s1 =	sshll.u32 s1, $0x11  }
0xbd: {  	s0 =	sor.u32 s1, s0  }
0xbe: {  	s0 =	sadd.s32 $0x8F2B, s0  }
0xbf: {  	[sflag:s0] =	ssyncadd.remote.s32 $0x1  }
0xc0: {  	_ =	sfence.sel $0xFFFF  }
0xc1: {  	[dreg:$0x0] =	wrdreg $0xFFFFFFFF;
	(pc) =	sbr.abs _section_cstart, $3  }
0xc2: {  	[dreg:$0x1] =	wrdreg $0xFFFFFFFF  }
0xc3: {  	_ =	task.clear_ibuf [dreg:s8], $0x2FFFF;
	_ =	strace $0x9FFFFFFF  }
0xc4: {  	(tm) =	ssettm $0x7FFFFFFF  }
0xc5: {  	_ =	shalt  }
tec
execute0_lowered:
.L_overlay_start_1:
0x0: {  	(tag) =	ssettag $0x1  }
0x1: {  	s1 =	rddreg [dreg:$0x0]  }
0x2: {  	s0 =	rddreg [dreg:$0x1];
	s2 =	srdreg.scid  }
0x3: {  	s10 =	stileid.u32;
	s4 =	rddreg [dreg:$0x2];
	s3 =	simm.s32 $0x0  }
0x4: {  	s12 =	simm.s32 $0x3700;
	s13 =	simm.s32 $0x3F00;
	s14 =	simm.s32 $0x4700  }
0x5: {  	s15 =	simm.s32 $0x4F00;
	s16 =	simm.s32 $0x5700;
	s17 =	simm.s32 $0x5F00  }
0x6: {  	s18 =	simm.s32 $0x6700;
	s19 =	simm.s32 $0x6F00;
	s20 =	simm.s32 $0x7700  }
0x7: {  	s21 =	simm.s32 $0x7F00;
	s11 =	simm.s32 $0xA700;
	s28 =	simm.s32 $0x1  }
0x8: {  	s29 =	simm.s32 $0x2;
	s30 =	simm.s32 $0x3;
	s31 =	simm.s32 $0x4  }
0x9: {  	s2 =	sand.u32 $0x1, s2;
	s5 =	sshll.u32 s10, $0x1;
	[smem:$0x7FF] =	sst s3  }
0xa: {  	s4 =	sadd.s32 $0x800, s4;
	s24 =	smul.u32 $0x54000, s10;
	s10 =	simm.s32 $0x2F00  }
0xb: {  	s5 =	sor.u32 s2, s5;
	s7 =	ssub.s32 $0x2, s2;
	s2 =	smul.u32 $0x2A000, s2  }
0xc: {  	_ =	strace $0x80000047;
	s6 =	smul.u32 $0x700, s5;
	s8 =	sshrl.u32 s7, $0x1  }
0xd: {  	s5 =	smul.u32 $0xE0, s5;
	s25 =	sadd.s32 s24, s4;
	s24 =	simm.s32 $0x9700  }
0xe: {  	s7 =	ssub.s32 s7, s8;
	s2 =	sadd.s32 s2, s25;
	s25 =	simm.s32 $0x9F00  }
0xf: {  	s9 =	sshrl.u32 s6, $0x3;
	s0 =	sadd.s32 s0, s5;
	s23 =	sadd.s32 $0x6C8, s6  }
0x10: {  	s5 =	sadd.s32 $0x100, s1;
	s6 =	sadd.s32 $0x200, s1;
	s26 =	smax.u32 s7, $0x1  }
0x11: {  	[dreg:$0x4] =	wrdreg s2;
	s7 =	simm.s32 $0xF00;
	s2 =	simm.s32 $0x0  }
0x12: {  	s22 =	smul.u32 $0x300, s9;
	[dreg:$0x5] =	wrdreg s0;
	s0 =	sshrl.u32 s23, $0x3  }
0x13: {  	[dreg:$0x8] =	wrdreg s26;
	s26 =	simm.s32 $0x2700;
	s23 =	simm.s32 $0x8F00  }
0x14: {  	s9 =	simm.s32 $0xAF00;
	s0 =	smul.u32 $0x300, s0;
	s8 =	sadd.s32 s4, s22  }
0x15: {  	v2 =	vlaneseq.u32;
	[dreg:$0x9] =	wrdreg s2;
	s22 =	simm.s32 $0x8700;
	s8 =	sadd.s32 $0x27600, s8  }
0x16: {  	vm0 =	vmmov $0xffff;
	v1 =	vshrl.u32 v2, $0x3;
	s0 =	sadd.s32 s4, s0;
	s4 =	simm.s32 $0x1700;
	[dreg:$0x6] =	wrdreg s8  }
0x17: {  	v0 =	vand.u32 $0x7, v2;
	v2 =	vor.u32 $0x8, v2;
	v1 =	vmul.u32 $0x8, v1;
	[dreg:$0x7] =	wrdreg s0;
	s0 =	simm.s32 $0x700;
	s8 =	simm.s32 $0x1F00  }
.LBB2_1:
0x18: {  	s2 =	rddreg [dreg:$0x5]  }
0x19: {  	[tilespmem:s3], [sflag:$0x5] =	stream.linear.gather [hbm4b:s2+s3], $0x700, $0x38;
	[tilespmem:$0x15700] =	vst v63  }
0x1a: {  	s2 =	simm.s32 $0x5  }
0x1b: {  	_ =	swait.ge [sflag:s2], $0x700  }
0x1c: {  	[sflag:s2] =	ssyncset.done $0x0  }
0x1d: {  	[sflag:s2] =	ssyncadd.s32 $0xFFFFF900  }
0x1e: {  	v3 =	vld [tilespmem:$0x0];
	_ =	sdelay $0x4  }
0x1f: {  	v4 =	vshrl.u32 v3, $0x3  }
0x20: {  	v4 =	vmul.u32 $0x30, v4  }
0x21: {  	v3 =	vand.u32 $0x7, v3  }
0x22: {  	v3 =	vor.u32 v3, v4  }
0x23: {  	v4 =	vperm.xlane v3, v0;
	_ =	sdelay $0x1  }
0x24: {  	v4 =	vadd.s32 v1, v4;
	_ =	sdelay $0x3  }
0x25: {  	v3 =	vperm.xlane v3, v2  }
0x26: {  	[tilespmem:s0], [sflag:$0x1] =	stream.indirect_vreg.gather [hbm4b:s1+s3], $0x80, v4, vm0, $0xb8;
	[tilespmem:$0x15700] =	vst v63  }
0x27: {  	v3 =	vadd.s32 v1, v3  }
0x28: {  	[tilespmem:s7], [sflag:$0x1] =	stream.indirect_vreg.gather [hbm4b:s5+s3], $0x80, v4, vm0, $0xb8;
	[tilespmem:$0x15700] =	vst v63  }
0x29: {  	_ = 	snop  }
0x2a: {  	[tilespmem:s4], [sflag:$0x1] =	stream.indirect_vreg.gather [hbm4b:s6+s3], $0x80, v4, vm0, $0xb8;
	[tilespmem:$0x15700] =	vst v63  }
0x2b: {  	_ = 	snop  }
0x2c: {  	[tilespmem:s8], [sflag:$0x1] =	stream.indirect_vreg.gather [hbm4b:s1+s3], $0x80, v3, vm0, $0xb8;
	[tilespmem:$0x15700] =	vst v63  }
0x2d: {  	_ = 	snop  }
0x2e: {  	[tilespmem:s26], [sflag:$0x1] =	stream.indirect_vreg.gather [hbm4b:s5+s3], $0x80, v3, vm0, $0xb8;
	[tilespmem:$0x15700] =	vst v63  }
0x2f: {  	_ = 	snop  }
0x30: {  	[tilespmem:s10], [sflag:$0x1] =	stream.indirect_vreg.gather [hbm4b:s6+s3], $0x80, v3, vm0, $0xb8;
	[tilespmem:$0x15700] =	vst v63  }
0x31: {  	v3 =	vld [tilespmem:$0x10];
	_ =	sdelay $0x4  }
0x32: {  	v57 =	vshrl.u32 v3, $0x3  }
0x33: {  	v4 =	vmul.u32 $0x30, v57  }
0x34: {  	v3 =	vand.u32 $0x7, v3  }
0x35: {  	v3 =	vor.u32 v3, v4  }
0x36: {  	v4 =	vperm.xlane v3, v0;
	_ =	sdelay $0x1  }
0x37: {  	v4 =	vadd.s32 v1, v4;
	_ =	sdelay $0x3  }
0x38: {  	v3 =	vperm.xlane v3, v2  }
0x39: {  	[tilespmem:s12], [sflag:$0x1] =	stream.indirect_vreg.gather [hbm4b:s1+s3], $0x80, v4, vm0, $0xb8;
	[tilespmem:$0x15700] =	vst v63  }
0x3a: {  	v3 =	vadd.s32 v1, v3  }
0x3b: {  	[tilespmem:s13], [sflag:$0x1] =	stream.indirect_vreg.gather [hbm4b:s5+s3], $0x80, v4, vm0, $0xb8;
	[tilespmem:$0x15700] =	vst v63  }
0x3c: {  	_ = 	snop  }
0x3d: {  	[tilespmem:s14], [sflag:$0x1] =	stream.indirect_vreg.gather [hbm4b:s6+s3], $0x80, v4, vm0, $0xb8;
	[tilespmem:$0x15700] =	vst v63  }
0x3e: {  	_ = 	snop  }
0x3f: {  	[tilespmem:s15], [sflag:$0x1] =	stream.indirect_vreg.gather [hbm4b:s1+s3], $0x80, v3, vm0, $0xb8;
	[tilespmem:$0x15700] =	vst v63  }
0x40: {  	_ = 	snop  }
0x41: {  	[tilespmem:s16], [sflag:$0x1] =	stream.indirect_vreg.gather [hbm4b:s5+s3], $0x80, v3, vm0, $0xb8;
	[tilespmem:$0x15700] =	vst v63  }
0x42: {  	_ = 	snop  }
0x43: {  	[tilespmem:s17], [sflag:$0x1] =	stream.indirect_vreg.gather [hbm4b:s6+s3], $0x80, v3, vm0, $0xb8;
	[tilespmem:$0x15700] =	vst v63  }
0x44: {  	v3 =	vld [tilespmem:$0x20];
	_ =	sdelay $0x4  }
0x45: {  	v58 =	vshrl.u32 v3, $0x3  }
0x46: {  	v4 =	vmul.u32 $0x30, v58  }
0x47: {  	v3 =	vand.u32 $0x7, v3  }
0x48: {  	v3 =	vor.u32 v3, v4  }
0x49: {  	v4 =	vperm.xlane v3, v0;
	_ =	sdelay $0x1  }
0x4a: {  	v4 =	vadd.s32 v1, v4;
	_ =	sdelay $0x3  }
0x4b: {  	v3 =	vperm.xlane v3, v2  }
0x4c: {  	[tilespmem:s18], [sflag:$0x1] =	stream.indirect_vreg.gather [hbm4b:s1+s3], $0x80, v4, vm0, $0xb8;
	[tilespmem:$0x15700] =	vst v63  }
0x4d: {  	v3 =	vadd.s32 v1, v3  }
0x4e: {  	[tilespmem:s19], [sflag:$0x1] =	stream.indirect_vreg.gather [hbm4b:s5+s3], $0x80, v4, vm0, $0xb8;
	[tilespmem:$0x15700] =	vst v63  }
0x4f: {  	_ = 	snop  }
0x50: {  	[tilespmem:s20], [sflag:$0x1] =	stream.indirect_vreg.gather [hbm4b:s6+s3], $0x80, v4, vm0, $0xb8;
	[tilespmem:$0x15700] =	vst v63  }
0x51: {  	_ = 	snop  }
0x52: {  	[tilespmem:s21], [sflag:$0x1] =	stream.indirect_vreg.gather [hbm4b:s1+s3], $0x80, v3, vm0, $0xb8;
	[tilespmem:$0x15700] =	vst v63  }
0x53: {  	_ = 	snop  }
0x54: {  	[tilespmem:s22], [sflag:$0x1] =	stream.indirect_vreg.gather [hbm4b:s5+s3], $0x80, v3, vm0, $0xb8;
	[tilespmem:$0x15700] =	vst v63  }
0x55: {  	_ = 	snop  }
0x56: {  	[tilespmem:s23], [sflag:$0x1] =	stream.indirect_vreg.gather [hbm4b:s6+s3], $0x80, v3, vm0, $0xb8;
	[tilespmem:$0x15700] =	vst v63  }
0x57: {  	v3 =	vld.msk [tilespmem:$0x30], $0xff;
	_ =	sdelay $0x4  }
0x58: {  	v59 =	vshrl.u32 v3, $0x3  }
0x59: {  	v4 =	vmul.u32 $0x30, v59  }
0x5a: {  	v3 =	vand.u32 $0x7, v3  }
0x5b: {  	v3 =	vor.u32 v3, v4  }
0x5c: {  	v3 =	vperm.xlane v3, v0;
	_ =	sdelay $0x1  }
0x5d: {  	v3 =	vadd.s32 v1, v3;
	_ =	sdelay $0x4  }
0x5e: {  	[tilespmem:s24], [sflag:$0x1] =	stream.indirect_vreg.gather [hbm4b:s1+s3], $0x80, v3, vm0, $0xb8;
	[tilespmem:$0x15700] =	vst v63  }
0x5f: {  	_ = 	snop  }
0x60: {  	[tilespmem:s25], [sflag:$0x1] =	stream.indirect_vreg.gather [hbm4b:s5+s3], $0x80, v3, vm0, $0xb8;
	[tilespmem:$0x15700] =	vst v63  }
0x61: {  	_ = 	snop  }
0x62: {  	[tilespmem:s11], [sflag:$0x1] =	stream.indirect_vreg.gather [hbm4b:s6+s3], $0x80, v3, vm0, $0xb8;
	[tilespmem:$0x15700] =	vst v63  }
0x63: {  	v3 =	vld [tilespmem:$0x38];
	_ =	sdelay $0x4  }
0x64: {  	v60 =	vshrl.u32 v3, $0x3  }
0x65: {  	v4 =	vmul.u32 $0x30, v60  }
0x66: {  	v3 =	vand.u32 $0x7, v3  }
0x67: {  	v3 =	vor.u32 v3, v4  }
0x68: {  	v4 =	vperm.xlane v3, v0;
	_ =	sdelay $0x1  }
0x69: {  	v4 =	vadd.s32 v1, v4;
	_ =	sdelay $0x3  }
0x6a: {  	v3 =	vperm.xlane v3, v2  }
0x6b: {  	[tilespmem:s9], [sflag:$0x2] =	stream.indirect_vreg.gather [hbm4b:s1+s3], $0x80, v4, vm0, $0xb8;
	[tilespmem:$0x15700] =	vst v63  }
0x6c: {  	s10 =	simm.s32 $0xB700;
	v3 =	vadd.s32 v1, v3  }
0x6d: {  	[tilespmem:s10], [sflag:$0x2] =	stream.indirect_vreg.gather [hbm4b:s5+s3], $0x80, v4, vm0, $0xb8;
	[tilespmem:$0x15700] =	vst v63  }
0x6e: {  	s11 =	simm.s32 $0xBF00  }
0x6f: {  	[tilespmem:s11], [sflag:$0x2] =	stream.indirect_vreg.gather [hbm4b:s6+s3], $0x80, v4, vm0, $0xb8;
	[tilespmem:$0x15700] =	vst v63  }
0x70: {  	s12 =	simm.s32 $0xC700  }
0x71: {  	[tilespmem:s12], [sflag:$0x2] =	stream.indirect_vreg.gather [hbm4b:s1+s3], $0x80, v3, vm0, $0xb8;
	[tilespmem:$0x15700] =	vst v63  }
0x72: {  	s13 =	simm.s32 $0xCF00  }
0x73: {  	[tilespmem:s13], [sflag:$0x2] =	stream.indirect_vreg.gather [hbm4b:s5+s3], $0x80, v3, vm0, $0xb8;
	[tilespmem:$0x15700] =	vst v63  }
0x74: {  	s14 =	simm.s32 $0xD700  }
0x75: {  	[tilespmem:s14], [sflag:$0x2] =	stream.indirect_vreg.gather [hbm4b:s6+s3], $0x80, v3, vm0, $0xb8;
	[tilespmem:$0x15700] =	vst v63  }
0x76: {  	v3 =	vld [tilespmem:$0x48];
	_ =	sdelay $0x4  }
0x77: {  	v61 =	vshrl.u32 v3, $0x3  }
0x78: {  	v4 =	vmul.u32 $0x30, v61  }
0x79: {  	v3 =	vand.u32 $0x7, v3  }
0x7a: {  	v3 =	vor.u32 v3, v4  }
0x7b: {  	v4 =	vperm.xlane v3, v0;
	_ =	sdelay $0x1  }
0x7c: {  	v4 =	vadd.s32 v1, v4;
	_ =	sdelay $0x3  }
0x7d: {  	s15 =	simm.s32 $0xDF00;
	v3 =	vperm.xlane v3, v2  }
0x7e: {  	[tilespmem:s15], [sflag:$0x2] =	stream.indirect_vreg.gather [hbm4b:s1+s3], $0x80, v4, vm0, $0xb8;
	[tilespmem:$0x15700] =	vst v63  }
0x7f: {  	s16 =	simm.s32 $0xE700;
	v3 =	vadd.s32 v1, v3  }
0x80: {  	[tilespmem:s16], [sflag:$0x2] =	stream.indirect_vreg.gather [hbm4b:s5+s3], $0x80, v4, vm0, $0xb8;
	[tilespmem:$0x15700] =	vst v63  }
0x81: {  	s17 =	simm.s32 $0xEF00  }
0x82: {  	[tilespmem:s17], [sflag:$0x2] =	stream.indirect_vreg.gather [hbm4b:s6+s3], $0x80, v4, vm0, $0xb8;
	[tilespmem:$0x15700] =	vst v63  }
0x83: {  	s18 =	simm.s32 $0xF700  }
0x84: {  	[tilespmem:s18], [sflag:$0x2] =	stream.indirect_vreg.gather [hbm4b:s1+s3], $0x80, v3, vm0, $0xb8;
	[tilespmem:$0x15700] =	vst v63  }
0x85: {  	s19 =	simm.s32 $0xFF00  }
0x86: {  	[tilespmem:s19], [sflag:$0x2] =	stream.indirect_vreg.gather [hbm4b:s5+s3], $0x80, v3, vm0, $0xb8;
	[tilespmem:$0x15700] =	vst v63  }
0x87: {  	s20 =	simm.s32 $0x10700  }
0x88: {  	[tilespmem:s20], [sflag:$0x2] =	stream.indirect_vreg.gather [hbm4b:s6+s3], $0x80, v3, vm0, $0xb8;
	[tilespmem:$0x15700] =	vst v63  }
0x89: {  	v3 =	vld [tilespmem:$0x58];
	_ =	sdelay $0x4  }
0x8a: {  	v62 =	vshrl.u32 v3, $0x3  }
0x8b: {  	v4 =	vmul.u32 $0x30, v62  }
0x8c: {  	v3 =	vand.u32 $0x7, v3  }
0x8d: {  	v3 =	vor.u32 v3, v4  }
0x8e: {  	v4 =	vperm.xlane v3, v0;
	_ =	sdelay $0x1  }
0x8f: {  	v4 =	vadd.s32 v1, v4;
	_ =	sdelay $0x3  }
0x90: {  	s21 =	simm.s32 $0x10F00;
	v3 =	vperm.xlane v3, v2  }
0x91: {  	[tilespmem:s21], [sflag:$0x2] =	stream.indirect_vreg.gather [hbm4b:s1+s3], $0x80, v4, vm0, $0xb8;
	[tilespmem:$0x15700] =	vst v63  }
0x92: {  	s22 =	simm.s32 $0x11700;
	v3 =	vadd.s32 v1, v3  }
0x93: {  	[tilespmem:s22], [sflag:$0x2] =	stream.indirect_vreg.gather [hbm4b:s5+s3], $0x80, v4, vm0, $0xb8;
	[tilespmem:$0x15700] =	vst v63  }
0x94: {  	s23 =	simm.s32 $0x11F00  }
0x95: {  	[tilespmem:s23], [sflag:$0x2] =	stream.indirect_vreg.gather [hbm4b:s6+s3], $0x80, v4, vm0, $0xb8;
	[tilespmem:$0x15700] =	vst v63  }
0x96: {  	s24 =	simm.s32 $0x12700  }
0x97: {  	[tilespmem:s24], [sflag:$0x2] =	stream.indirect_vreg.gather [hbm4b:s1+s3], $0x80, v3, vm0, $0xb8;
	[tilespmem:$0x15700] =	vst v63  }
0x98: {  	s25 =	simm.s32 $0x12F00  }
0x99: {  	[tilespmem:s25], [sflag:$0x2] =	stream.indirect_vreg.gather [hbm4b:s5+s3], $0x80, v3, vm0, $0xb8;
	[tilespmem:$0x15700] =	vst v63  }
0x9a: {  	s26 =	simm.s32 $0x13700  }
0x9b: {  	[tilespmem:s26], [sflag:$0x2] =	stream.indirect_vreg.gather [hbm4b:s6+s3], $0x80, v3, vm0, $0xb8;
	[tilespmem:$0x15700] =	vst v63  }
0x9c: {  	v3 =	vld.msk [tilespmem:$0x68], $0xff;
	_ =	sdelay $0x4  }
0x9d: {  	v63 =	vshrl.u32 v3, $0x3  }
0x9e: {  	v4 =	vmul.u32 $0x30, v63  }
0x9f: {  	v3 =	vand.u32 $0x7, v3  }
0xa0: {  	v3 =	vor.u32 v3, v4  }
0xa1: {  	v3 =	vperm.xlane v3, v0;
	_ =	sdelay $0x1  }
0xa2: {  	s2 =	simm.s32 $0xD8;
	v3 =	vadd.s32 v1, v3  }
0xa3: {  	s4 =	simm.s32 $0x0;
	s8 =	simm.s32 $0x1700;
	s10 =	simm.s32 $0x2700  }
0xa4: {  	s11 =	simm.s32 $0xA700;
	s13 =	simm.s32 $0x3700;
	s14 =	simm.s32 $0x13F00  }
0xa5: {  	s15 =	simm.s32 $0x4700;
	s16 =	simm.s32 $0x14700;
	s17 =	simm.s32 $0x5700  }
0xa6: {  	s18 =	simm.s32 $0x14F00;
	s19 =	simm.s32 $0x6700;
	s20 =	simm.s32 $0x6F00  }
0xa7: {  	[tilespmem:s14], [sflag:$0x2] =	stream.indirect_vreg.gather [hbm4b:s1+s3], $0x80, v3, vm0, $0xb8;
	[tilespmem:$0x15700] =	vst v63  }
0xa8: {  	s21 =	simm.s32 $0x7700;
	s22 =	simm.s32 $0x7F00;
	s23 =	simm.s32 $0x8700  }
0xa9: {  	[tilespmem:s16], [sflag:$0x2] =	stream.indirect_vreg.gather [hbm4b:s5+s3], $0x80, v3, vm0, $0xb8;
	[tilespmem:$0x15700] =	vst v63  }
0xaa: {  	s24 =	simm.s32 $0x8F00;
	s25 =	simm.s32 $0x9700;
	s26 =	simm.s32 $0x9F00  }
0xab: {  	[tilespmem:s18], [sflag:$0x2] =	stream.indirect_vreg.gather [hbm4b:s6+s3], $0x80, v3, vm0, $0xb8;
	[tilespmem:$0x15700] =	vst v63  }
.LBB2_2:
0xac: {  	_ =	swait.ge [sflag:s28], $0xA800  }
0xad: {  	s7 =	rddreg [dreg:$0x4];
	[sflag:s28] =	ssyncset.done $0x0  }
0xae: {  	s9 =	simm.s32 $0x700;
	[sflag:s28] =	ssyncadd.s32 $0xFFFF5800;
	s7 =	sadd.s32 s4, s7  }
0xaf: {  	[hbm4b:s7+s3] =	stream.linear.scatter [tilespmem:s9], [sflag:$0x3], $0xA800, $0x38;
	[tilespmem:$0x15700] =	vst v63  }
0xb0: {  	_ =	swait.ge [sflag:s29], $0xA800  }
0xb1: {  	[sflag:s29] =	ssyncset.done $0x0  }
0xb2: {  	s12 =	simm.s32 $0xAF00;
	s7 =	sadd.s32 $0x1500, s7;
	[sflag:s29] =	ssyncadd.s32 $0xFFFF5800  }
0xb3: {  	[hbm4b:s7+s3] =	stream.linear.scatter [tilespmem:s12], [sflag:$0x4], $0xA800, $0x38;
	[tilespmem:$0x15700] =	vst v63  }
0xb4: {  	_ =	swait.ge [sflag:s30], $0xA800  }
0xb5: {  	[sflag:s30] =	ssyncset.done $0x0  }
0xb6: {  	[sflag:s30] =	ssyncadd.s32 $0xFFFF5800  }
0xb7: {  	v3 =	vld [tilespmem:s2+$0xFFFFFF98];
	_ =	sdelay $0x4  }
0xb8: {  	v4 =	vshrl.u32 v3, $0x3  }
0xb9: {  	v4 =	vmul.u32 $0x30, v4  }
0xba: {  	v3 =	vand.u32 $0x7, v3  }
0xbb: {  	v3 =	vor.u32 v3, v4  }
0xbc: {  	v4 =	vperm.xlane v3, v0;
	_ =	sdelay $0x1  }
0xbd: {  	v4 =	vadd.s32 v1, v4;
	_ =	sdelay $0x3  }
0xbe: {  	v3 =	vperm.xlane v3, v2  }
0xbf: {  	[tilespmem:s9], [sflag:$0x1] =	stream.indirect_vreg.gather [hbm4b:s1+s3], $0x80, v4, vm0, $0xb8;
	[tilespmem:$0x15700] =	vst v63  }
0xc0: {  	s7 =	simm.s32 $0xF00;
	v3 =	vadd.s32 v1, v3  }
0xc1: {  	[tilespmem:s7], [sflag:$0x1] =	stream.indirect_vreg.gather [hbm4b:s5+s3], $0x80, v4, vm0, $0xb8;
	[tilespmem:$0x15700] =	vst v63  }
0xc2: {  	_ = 	snop  }
0xc3: {  	[tilespmem:s8], [sflag:$0x1] =	stream.indirect_vreg.gather [hbm4b:s6+s3], $0x80, v4, vm0, $0xb8;
	[tilespmem:$0x15700] =	vst v63  }
0xc4: {  	s9 =	simm.s32 $0x1F00  }
0xc5: {  	[tilespmem:s9], [sflag:$0x1] =	stream.indirect_vreg.gather [hbm4b:s1+s3], $0x80, v3, vm0, $0xb8;
	[tilespmem:$0x15700] =	vst v63  }
0xc6: {  	_ = 	snop  }
0xc7: {  	[tilespmem:s10], [sflag:$0x1] =	stream.indirect_vreg.gather [hbm4b:s5+s3], $0x80, v3, vm0, $0xb8;
	[tilespmem:$0x15700] =	vst v63  }
0xc8: {  	s9 =	simm.s32 $0x2F00  }
0xc9: {  	[tilespmem:s9], [sflag:$0x1] =	stream.indirect_vreg.gather [hbm4b:s6+s3], $0x80, v3, vm0, $0xb8;
	[tilespmem:$0x15700] =	vst v63  }
0xca: {  	v3 =	vld [tilespmem:s2+$0xFFFFFFA8];
	_ =	sdelay $0x4  }
0xcb: {  	v57 =	vshrl.u32 v3, $0x3  }
0xcc: {  	v4 =	vmul.u32 $0x30, v57  }
0xcd: {  	v3 =	vand.u32 $0x7, v3  }
0xce: {  	v3 =	vor.u32 v3, v4  }
0xcf: {  	v4 =	vperm.xlane v3, v0;
	_ =	sdelay $0x1  }
0xd0: {  	v4 =	vadd.s32 v1, v4;
	_ =	sdelay $0x3  }
0xd1: {  	v3 =	vperm.xlane v3, v2  }
0xd2: {  	[tilespmem:s13], [sflag:$0x1] =	stream.indirect_vreg.gather [hbm4b:s1+s3], $0x80, v4, vm0, $0xb8;
	[tilespmem:$0x15700] =	vst v63  }
0xd3: {  	s9 =	simm.s32 $0x3F00;
	v3 =	vadd.s32 v1, v3  }
0xd4: {  	[tilespmem:s9], [sflag:$0x1] =	stream.indirect_vreg.gather [hbm4b:s5+s3], $0x80, v4, vm0, $0xb8;
	[tilespmem:$0x15700] =	vst v63  }
0xd5: {  	_ = 	snop  }
0xd6: {  	[tilespmem:s15], [sflag:$0x1] =	stream.indirect_vreg.gather [hbm4b:s6+s3], $0x80, v4, vm0, $0xb8;
	[tilespmem:$0x15700] =	vst v63  }
0xd7: {  	s9 =	simm.s32 $0x4F00  }
0xd8: {  	[tilespmem:s9], [sflag:$0x1] =	stream.indirect_vreg.gather [hbm4b:s1+s3], $0x80, v3, vm0, $0xb8;
	[tilespmem:$0x15700] =	vst v63  }
0xd9: {  	_ = 	snop  }
0xda: {  	[tilespmem:s17], [sflag:$0x1] =	stream.indirect_vreg.gather [hbm4b:s5+s3], $0x80, v3, vm0, $0xb8;
	[tilespmem:$0x15700] =	vst v63  }
0xdb: {  	s9 =	simm.s32 $0x5F00  }
0xdc: {  	[tilespmem:s9], [sflag:$0x1] =	stream.indirect_vreg.gather [hbm4b:s6+s3], $0x80, v3, vm0, $0xb8;
	[tilespmem:$0x15700] =	vst v63  }
0xdd: {  	v3 =	vld [tilespmem:s2+$0xFFFFFFB8];
	_ =	sdelay $0x4  }
0xde: {  	v58 =	vshrl.u32 v3, $0x3  }
0xdf: {  	v4 =	vmul.u32 $0x30, v58  }
0xe0: {  	v3 =	vand.u32 $0x7, v3  }
0xe1: {  	v3 =	vor.u32 v3, v4  }
0xe2: {  	v4 =	vperm.xlane v3, v0;
	_ =	sdelay $0x1  }
0xe3: {  	v4 =	vadd.s32 v1, v4;
	_ =	sdelay $0x3  }
0xe4: {  	v3 =	vperm.xlane v3, v2  }
0xe5: {  	[tilespmem:s19], [sflag:$0x1] =	stream.indirect_vreg.gather [hbm4b:s1+s3], $0x80, v4, vm0, $0xb8;
	[tilespmem:$0x15700] =	vst v63  }
0xe6: {  	v3 =	vadd.s32 v1, v3  }
0xe7: {  	[tilespmem:s20], [sflag:$0x1] =	stream.indirect_vreg.gather [hbm4b:s5+s3], $0x80, v4, vm0, $0xb8;
	[tilespmem:$0x15700] =	vst v63  }
0xe8: {  	_ = 	snop  }
0xe9: {  	[tilespmem:s21], [sflag:$0x1] =	stream.indirect_vreg.gather [hbm4b:s6+s3], $0x80, v4, vm0, $0xb8;
	[tilespmem:$0x15700] =	vst v63  }
0xea: {  	_ = 	snop  }
0xeb: {  	[tilespmem:s22], [sflag:$0x1] =	stream.indirect_vreg.gather [hbm4b:s1+s3], $0x80, v3, vm0, $0xb8;
	[tilespmem:$0x15700] =	vst v63  }
0xec: {  	_ = 	snop  }
0xed: {  	[tilespmem:s23], [sflag:$0x1] =	stream.indirect_vreg.gather [hbm4b:s5+s3], $0x80, v3, vm0, $0xb8;
	[tilespmem:$0x15700] =	vst v63  }
0xee: {  	_ = 	snop  }
0xef: {  	[tilespmem:s24], [sflag:$0x1] =	stream.indirect_vreg.gather [hbm4b:s6+s3], $0x80, v3, vm0, $0xb8;
	[tilespmem:$0x15700] =	vst v63  }
0xf0: {  	v3 =	vld.msk [tilespmem:s2+$0xFFFFFFC8], $0xff;
	_ =	sdelay $0x4  }
0xf1: {  	v59 =	vshrl.u32 v3, $0x3  }
0xf2: {  	v4 =	vmul.u32 $0x30, v59  }
0xf3: {  	v3 =	vand.u32 $0x7, v3  }
0xf4: {  	v3 =	vor.u32 v3, v4  }
0xf5: {  	v3 =	vperm.xlane v3, v0;
	_ =	sdelay $0x1  }
0xf6: {  	v3 =	vadd.s32 v1, v3;
	_ =	sdelay $0x4  }
0xf7: {  	[tilespmem:s25], [sflag:$0x1] =	stream.indirect_vreg.gather [hbm4b:s1+s3], $0x80, v3, vm0, $0xb8;
	[tilespmem:$0x15700] =	vst v63  }
0xf8: {  	_ = 	snop  }
0xf9: {  	[tilespmem:s26], [sflag:$0x1] =	stream.indirect_vreg.gather [hbm4b:s5+s3], $0x80, v3, vm0, $0xb8;
	[tilespmem:$0x15700] =	vst v63  }
0xfa: {  	_ = 	snop  }
0xfb: {  	[tilespmem:s11], [sflag:$0x1] =	stream.indirect_vreg.gather [hbm4b:s6+s3], $0x80, v3, vm0, $0xb8;
	[tilespmem:$0x15700] =	vst v63  }
0xfc: {  	_ =	swait.ge [sflag:s31], $0xA800  }
0xfd: {  	[sflag:s31] =	ssyncset.done $0x0  }
0xfe: {  	[sflag:s31] =	ssyncadd.s32 $0xFFFF5800  }
0xff: {  	v3 =	vld [tilespmem:s2+$0xFFFFFFD0];
	_ =	sdelay $0x4  }
0x100: {  	v60 =	vshrl.u32 v3, $0x3  }
0x101: {  	v4 =	vmul.u32 $0x30, v60  }
0x102: {  	v3 =	vand.u32 $0x7, v3  }
0x103: {  	v3 =	vor.u32 v3, v4  }
0x104: {  	v4 =	vperm.xlane v3, v0;
	_ =	sdelay $0x1  }
0x105: {  	v4 =	vadd.s32 v1, v4;
	_ =	sdelay $0x3  }
0x106: {  	v3 =	vperm.xlane v3, v2  }
0x107: {  	[tilespmem:s12], [sflag:$0x2] =	stream.indirect_vreg.gather [hbm4b:s1+s3], $0x80, v4, vm0, $0xb8;
	[tilespmem:$0x15700] =	vst v63  }
0x108: {  	v3 =	vadd.s32 v1, v3;
	s12 =	simm.s32 $0xB700  }
0x109: {  	[tilespmem:s12], [sflag:$0x2] =	stream.indirect_vreg.gather [hbm4b:s5+s3], $0x80, v4, vm0, $0xb8;
	[tilespmem:$0x15700] =	vst v63  }
0x10a: {  	s12 =	simm.s32 $0xBF00  }
0x10b: {  	[tilespmem:s12], [sflag:$0x2] =	stream.indirect_vreg.gather [hbm4b:s6+s3], $0x80, v4, vm0, $0xb8;
	[tilespmem:$0x15700] =	vst v63  }
0x10c: {  	s12 =	simm.s32 $0xC700  }
0x10d: {  	[tilespmem:s12], [sflag:$0x2] =	stream.indirect_vreg.gather [hbm4b:s1+s3], $0x80, v3, vm0, $0xb8;
	[tilespmem:$0x15700] =	vst v63  }
0x10e: {  	s12 =	simm.s32 $0xCF00  }
0x10f: {  	[tilespmem:s12], [sflag:$0x2] =	stream.indirect_vreg.gather [hbm4b:s5+s3], $0x80, v3, vm0, $0xb8;
	[tilespmem:$0x15700] =	vst v63  }
0x110: {  	s12 =	simm.s32 $0xD700  }
0x111: {  	[tilespmem:s12], [sflag:$0x2] =	stream.indirect_vreg.gather [hbm4b:s6+s3], $0x80, v3, vm0, $0xb8;
	[tilespmem:$0x15700] =	vst v63  }
0x112: {  	v3 =	vld [tilespmem:s2+$0xFFFFFFE0];
	_ =	sdelay $0x4  }
0x113: {  	v61 =	vshrl.u32 v3, $0x3  }
0x114: {  	v4 =	vmul.u32 $0x30, v61  }
0x115: {  	v3 =	vand.u32 $0x7, v3  }
0x116: {  	v3 =	vor.u32 v3, v4  }
0x117: {  	v4 =	vperm.xlane v3, v0;
	_ =	sdelay $0x1  }
0x118: {  	v4 =	vadd.s32 v1, v4;
	_ =	sdelay $0x3  }
0x119: {  	s12 =	simm.s32 $0xDF00;
	v3 =	vperm.xlane v3, v2  }
0x11a: {  	[tilespmem:s12], [sflag:$0x2] =	stream.indirect_vreg.gather [hbm4b:s1+s3], $0x80, v4, vm0, $0xb8;
	[tilespmem:$0x15700] =	vst v63  }
0x11b: {  	v3 =	vadd.s32 v1, v3;
	s12 =	simm.s32 $0xE700  }
0x11c: {  	[tilespmem:s12], [sflag:$0x2] =	stream.indirect_vreg.gather [hbm4b:s5+s3], $0x80, v4, vm0, $0xb8;
	[tilespmem:$0x15700] =	vst v63  }
0x11d: {  	s12 =	simm.s32 $0xEF00  }
0x11e: {  	[tilespmem:s12], [sflag:$0x2] =	stream.indirect_vreg.gather [hbm4b:s6+s3], $0x80, v4, vm0, $0xb8;
	[tilespmem:$0x15700] =	vst v63  }
0x11f: {  	s12 =	simm.s32 $0xF700  }
0x120: {  	[tilespmem:s12], [sflag:$0x2] =	stream.indirect_vreg.gather [hbm4b:s1+s3], $0x80, v3, vm0, $0xb8;
	[tilespmem:$0x15700] =	vst v63  }
0x121: {  	s12 =	simm.s32 $0xFF00  }
0x122: {  	[tilespmem:s12], [sflag:$0x2] =	stream.indirect_vreg.gather [hbm4b:s5+s3], $0x80, v3, vm0, $0xb8;
	[tilespmem:$0x15700] =	vst v63  }
0x123: {  	s12 =	simm.s32 $0x10700  }
0x124: {  	[tilespmem:s12], [sflag:$0x2] =	stream.indirect_vreg.gather [hbm4b:s6+s3], $0x80, v3, vm0, $0xb8;
	[tilespmem:$0x15700] =	vst v63  }
0x125: {  	v3 =	vld [tilespmem:s2+$0xFFFFFFF0];
	_ =	sdelay $0x4  }
0x126: {  	v62 =	vshrl.u32 v3, $0x3  }
0x127: {  	v4 =	vmul.u32 $0x30, v62  }
0x128: {  	v3 =	vand.u32 $0x7, v3  }
0x129: {  	v3 =	vor.u32 v3, v4  }
0x12a: {  	v4 =	vperm.xlane v3, v0;
	_ =	sdelay $0x1  }
0x12b: {  	v4 =	vadd.s32 v1, v4;
	_ =	sdelay $0x3  }
0x12c: {  	s12 =	simm.s32 $0x10F00;
	v3 =	vperm.xlane v3, v2  }
0x12d: {  	[tilespmem:s12], [sflag:$0x2] =	stream.indirect_vreg.gather [hbm4b:s1+s3], $0x80, v4, vm0, $0xb8;
	[tilespmem:$0x15700] =	vst v63  }
0x12e: {  	v3 =	vadd.s32 v1, v3;
	s12 =	simm.s32 $0x11700  }
0x12f: {  	[tilespmem:s12], [sflag:$0x2] =	stream.indirect_vreg.gather [hbm4b:s5+s3], $0x80, v4, vm0, $0xb8;
	[tilespmem:$0x15700] =	vst v63  }
0x130: {  	s12 =	simm.s32 $0x11F00  }
0x131: {  	[tilespmem:s12], [sflag:$0x2] =	stream.indirect_vreg.gather [hbm4b:s6+s3], $0x80, v4, vm0, $0xb8;
	[tilespmem:$0x15700] =	vst v63  }
0x132: {  	s12 =	simm.s32 $0x12700  }
0x133: {  	[tilespmem:s12], [sflag:$0x2] =	stream.indirect_vreg.gather [hbm4b:s1+s3], $0x80, v3, vm0, $0xb8;
	[tilespmem:$0x15700] =	vst v63  }
0x134: {  	s12 =	simm.s32 $0x12F00  }
0x135: {  	[tilespmem:s12], [sflag:$0x2] =	stream.indirect_vreg.gather [hbm4b:s5+s3], $0x80, v3, vm0, $0xb8;
	[tilespmem:$0x15700] =	vst v63  }
0x136: {  	s12 =	simm.s32 $0x13700  }
0x137: {  	[tilespmem:s12], [sflag:$0x2] =	stream.indirect_vreg.gather [hbm4b:s6+s3], $0x80, v3, vm0, $0xb8;
	[tilespmem:$0x15700] =	vst v63  }
0x138: {  	v3 =	vld.msk [tilespmem:s2+$0x0], $0xff;
	_ =	sdelay $0x4  }
0x139: {  	v63 =	vshrl.u32 v3, $0x3  }
0x13a: {  	v4 =	vmul.u32 $0x30, v63  }
0x13b: {  	v3 =	vand.u32 $0x7, v3  }
0x13c: {  	v3 =	vor.u32 v3, v4  }
0x13d: {  	v3 =	vperm.xlane v3, v0;
	_ =	sdelay $0x1  }
0x13e: {  	v3 =	vadd.s32 v1, v3;
	_ =	sdelay $0x3  }
0x13f: {  	p0 =	sne.s32 s4, $0x24C00  }
0x140: {  	[tilespmem:s14], [sflag:$0x2] =	stream.indirect_vreg.gather [hbm4b:s1+s3], $0x80, v3, vm0, $0xb8;
	[tilespmem:$0x15700] =	vst v63  }
.Ltmp0:
0x141: {  	_ = 	snop;
	(pc) =	sbr.rel @p0 .LBB2_2-.Ltmp0, $4  }
0x142: {  	s0 =	simm.s32 $0x700  }
0x143: {  	[tilespmem:s16], [sflag:$0x2] =	stream.indirect_vreg.gather [hbm4b:s5+s3], $0x80, v3, vm0, $0xb8;
	[tilespmem:$0x15700] =	vst v63  }
0x144: {  	s4 =	sadd.s32 $0x2A00, s4;
	s9 =	simm.s32 $0xAF00;
	s2 =	sadd.s32 $0x70, s2  }
0x145: {  	[tilespmem:s18], [sflag:$0x2] =	stream.indirect_vreg.gather [hbm4b:s6+s3], $0x80, v3, vm0, $0xb8;
	[tilespmem:$0x15700] =	vst v63  }
0x146: {  	_ =	swait.ge [sflag:s28], $0xA800  }
0x147: {  	[sflag:s28] =	ssyncset.done $0x0  }
0x148: {  	s2 =	rddreg [dreg:$0x6];
	[sflag:s28] =	ssyncadd.s32 $0xFFFF5800  }
0x149: {  	[hbm4b:s2+s3] =	stream.linear.scatter [tilespmem:s0], [sflag:$0x3], $0xA800, $0x38;
	[tilespmem:$0x15700] =	vst v63  }
0x14a: {  	_ =	swait.ge [sflag:s29], $0xA800  }
0x14b: {  	[sflag:s29] =	ssyncset.done $0x0  }
0x14c: {  	s25 =	rddreg [dreg:$0x7];
	[sflag:s29] =	ssyncadd.s32 $0xFFFF5800  }
0x14d: {  	[hbm4b:s25+s3] =	stream.linear.scatter [tilespmem:s9], [sflag:$0x4], $0xA800, $0x38;
	[tilespmem:$0x15700] =	vst v63  }
0x14e: {  	_ =	swait.ge [sflag:s30], $0xA800  }
0x14f: {  	[sflag:s30] =	ssyncset.done $0x0  }
0x150: {  	s8 =	simm.s32 $0x1F00;
	[sflag:s30] =	ssyncadd.s32 $0xFFFF5800  }
0x151: {  	s10 =	simm.s32 $0x2F00;
	s12 =	simm.s32 $0x3700;
	_ =	swait.ge [sflag:s31], $0xA800  }
0x152: {  	s13 =	simm.s32 $0x3F00;
	s14 =	simm.s32 $0x4700;
	s4 =	rddreg [dreg:$0x9]  }
0x153: {  	s15 =	simm.s32 $0x4F00;
	s26 =	rddreg [dreg:$0x8];
	s4 =	sadd.s32 $0x1, s4  }
0x154: {  	s16 =	simm.s32 $0x5700;
	s17 =	simm.s32 $0x5F00;
	p0 =	sne.s32 s4, s26  }
.Ltmp1:
0x155: {  	s18 =	simm.s32 $0x6700;
	s19 =	simm.s32 $0x6F00;
	(pc) =	sbr.rel @p0 .LBB2_1-.Ltmp1, $4  }
0x156: {  	s20 =	simm.s32 $0x7700;
	s21 =	simm.s32 $0x7F00;
	s22 =	simm.s32 $0x8700  }
0x157: {  	s23 =	simm.s32 $0x8F00;
	s24 =	simm.s32 $0x9700;
	[sflag:s31] =	ssyncset.done $0x0  }
0x158: {  	s11 =	simm.s32 $0xA700;
	s25 =	simm.s32 $0x9F00;
	[sflag:s31] =	ssyncadd.s32 $0xFFFF5800  }
0x159: {  	[dreg:$0x9] =	wrdreg s4;
	s4 =	simm.s32 $0x1700;
	s26 =	simm.s32 $0x2700  }
0x15a: {  	_ =	sfence.sel $0x180000  }
0x15b: {  	[bflag:$0x0] =	sbarrier.arrive $0xFFFF  }
0x15c: {  	_ =	strace $0x90000047  }
0x15d: {  	s0 =	stileid.u32;
	[bflag:$0x2] =	sbarrier.arrive $0xFFFF  }
0x15e: {  	p0 =	sne.s32 s0, $0x0;
	s0 =	rddreg [dreg:$0x3]  }
0x15f: {  	s0 =	sadd.s32 @!p0 $0x100000, s0  }
0x160: {  	[sflag:s0] =	ssyncadd.tile.s32 @!p0 $0x1;
	_ =	shalt  }
.Lfunc_end2:
_tile_overlayer_lowered:
.L_overlay_start_2:
0x161: {  	(tag) =	ssettag $0x2  }
0x162: {  	s0 =	rddreg [dreg:$0x0];
	s2 =	stileid.u32  }
0x163: {  	s1 =	rddreg [dreg:$0x1];
	p0 =	sne.s32 s2, $0x0  }
0x164: {  	s3 =	rddreg [dreg:$0x2];
	[bflag:$0x3] =	sbarrier.arrive $0xFFFF;
	s2 =	simm.s32 @!p0 $0x1C05  }
0x165: {  	[timem:s3], [sflag:s2] =	dma.local @!p0 [hbm:s0], s1  }
0x166: {  	s0 =	simm.s32 @!p0 $0x5  }
0x167: {  	_ =	swait.ge @!p0 [sflag:s0], s1  }
0x168: {  	s1 =	ssub.s32 @!p0 $0x0, s1;
	[sflag:s0] =	ssyncset.done @!p0 $0x0  }
0x169: {  	[sflag:s0] =	ssyncadd.s32 @!p0 s1  }
0x16a: {  	[bflag:$0x3] =	sbarrier.arrive $0xFFFF  }
0x16b: {  	_ =	shalt  }

// kernel: sparse-core-data-format-call.cloned.1.call-start
scs
called_computation_lowered:
.L_overlay_start_0:
0x0: {  	s2 =	sld [smem:$0x3FD9]  }
0x1: {  	s3 =	sld [smem:$0x3FFE];
	_ =	sdelay $0x1  }
0x2: {  	s1 =	srdreg.scid  }
0x3: {  	s0 =	sand.u32 $0x1, s1  }
0x4: {  	s18 =	sshll.u32 s0, $0xA;
	s2 =	sadd.s32 s3, s2  }
0x5: {  	s2 =	sadd.s32 s2, s18  }
0x6: {  	[smem:$0x3FC6] =	sst s2  }
0x7: {  	_ = 	snop  }
0x8: {  	s2 =	sld [smem:$0x3FD0];
	(tm) =	ssettm $0x1  }
0x9: {  	s19 =	sld [smem:$0x3FFB];
	_ =	sdelay $0x3  }
0xa: {  	_ =	strace s19  }
0xb: {  	s3 =	sld [smem:$0x3FFC];
	_ =	sdelay $0x3  }
0xc: {  	_ =	strace s3  }
0xd: {  	s3 =	sld [smem:$0x3FFD];
	_ =	sdelay $0x3  }
0xe: {  	_ =	strace s3  }
0xf: {  	_ =	strace $0x8FFFFFFF  }
0x10: {  	s20 =	sld [smem:$0x3FDB];
	_ =	sdelay $0x1  }
0x11: {  	s4 =	simm.s32 $_scs_section_size  }
0x12: {  	s5 =	simm.s32 $_size__tile_overlayer_lowered;
	s6 =	simm.s32 $_tile_overlayer_lowered  }
0x13: {  	s23 =	simm.s32 $0x1BFF;
	s22 =	sshll.u32 s6, $0x1;
	s3 =	sadd.s32 s4, s20  }
0x14: {  	s7 =	simm.s32 $0x0;
	s21 =	sshll.u32 s5, $0x1;
	s5 =	sadd.s32 s22, s3  }
0x15: {  	[timem:s7], [sflag:s23] =	dma.local [hbm:s5], s21  }
0x16: {  	_ =	swait.ge [sflag:s23], s21  }
0x17: {  	s4 =	ssub.s32 $0x0, s21;
	[sflag:s23] =	ssyncset.done $0x0  }
0x18: {  	[sflag:s23] =	ssyncadd.s32 s4;
	_ =	sdelay $0x1  }
0x19: {  	s24 =	simm.s32 $0x1B8B  }
0x1a: {  	_ =	swait.ge [sflag:s24], $0x1  }
0x1b: {  	[sflag:s24] =	ssyncset.done $0x0  }
0x1c: {  	s26 =	simm.s32 $0x1B8E;
	s25 =	sld [smem:$0x3FFE];
	[sflag:s24] =	ssyncadd.s32 $0xFFFFFFFF  }
0x1d: {  	s27 =	simm.s32 $execute0_lowered;
	[smem:$0x3FD2] =	sst s26  }
0x1e: {  	s5 =	sshll.u32 s27, $0x1;
	_ =	strace $0x80000049;
	[dreg:$0x1] =	wrdreg $0xFFFFFFFF  }
0x1f: {  	s28 =	simm.s32 $_size_execute0_lowered;
	s3 =	sadd.s32 s3, s5;
	[dreg:$0x0] =	wrdreg $0x0  }
0x20: {  	s5 =	sshll.u32 s28, $0x1;
	[dreg:$0x2] =	wrdreg s3  }
0x21: {  	[dreg:$0x3] =	wrdreg s5  }
0x22: {  	[dreg:$0x4] =	wrdreg $0xC0  }
0x23: {  	_ =	task [dreg:s7], $0x5FFFF  }
0x24: {  	[dreg:$0x1] =	wrdreg $0xFFFFFFFF  }
0x25: {  	[dreg:$0x0] =	wrdreg $0x60  }
0x26: {  	[dreg:$0x2] =	wrdreg s25  }
0x27: {  	[dreg:$0x3] =	wrdreg s2  }
0x28: {  	[dreg:$0x4] =	wrdreg $0x9  }
0x29: {  	_ =	task.clear_ibuf [dreg:s7], $0x5FFFF;
	_ =	strace $0x90000049  }
0x2a: {  	s29 =	simm.s32 $0x9;
	_ =	strace $0x8000004B  }
0x2b: {  	_ =	swait.ge [sflag:s29], $0x1  }
0x2c: {  	[sflag:s29] =	ssyncadd.s32 $0xFFFFFFFF  }
0x2d: {  	_ =	strace $0x9000004B  }
0x2e: {  	_ =	sfence  }
0x2f: {  	s30 =	sld [smem:$0x0];
	_ =	sdelay $0x2  }
0x30: {  	s31 =	sshll.u32 s1, $0xD;
	s1 =	sshrl.u32 s1, $0x2  }
0x31: {  	s3 =	sand.u32 $0x4000, s31;
	s1 =	sadd.s32 s1, s30  }
0x32: {  	s0 =	sor.u32 s3, s0;
	s1 =	sshll.u32 s1, $0x11  }
0x33: {  	s0 =	sor.u32 s1, s0  }
0x34: {  	s0 =	sadd.s32 $0x8F2B, s0  }
0x35: {  	[sflag:s0] =	ssyncadd.remote.s32 $0x1  }
0x36: {  	_ =	sfence.sel $0xFFFF  }
0x37: {  	[dreg:$0x0] =	wrdreg $0xFFFFFFFF;
	(pc) =	sbr.abs _section_cstart, $3  }
0x38: {  	[dreg:$0x1] =	wrdreg $0xFFFFFFFF  }
0x39: {  	_ =	task.clear_ibuf [dreg:s7], $0x2FFFF;
	_ =	strace $0x9FFFFFFF  }
0x3a: {  	(tm) =	ssettm $0x7FFFFFFF  }
0x3b: {  	_ =	shalt  }
tec
execute0_lowered:
.L_overlay_start_1:
0x0: {  	(tag) =	ssettag $0x1  }
0x1: {  	s0 =	stileid.u32  }
0x2: {  	s1 =	srdreg.scid;
	s2 =	sshll.u32 s0, $0x7  }
0x3: {  	s7 =	rddreg [dreg:$0x0];
	s3 =	sshll.u32 s1, $0x4;
	s1 =	sand.u32 $0x380, s2  }
0x4: {  	s8 =	simm.s32 $0x2;
	s30 =	sand.u32 $0x10, s3;
	s31 =	ssub.s32 $0x400, s1  }
0x5: {  	s16 =	simm.s32 $0x0;
	s2 =	sor.u32 s0, s30;
	s4 =	sand.u32 $0x380, s31  }
0x6: {  	s2 =	sshrl.u32 s2, $0x3;
	p0 =	sne.s32 s4, $0x0;
	s4 =	simm.s32 $0x1  }
0x7: {  	s3 =	sshrl.u32 s31, $0xA;
	s5 =	ssub.s32 $0x35, s2;
	s4 =	simm.s32 @!p0 $0x0  }
0x8: {  	s9 =	simm.s32 $0x1800;
	s5 =	sshrl.u32 s5, $0x2;
	s3 =	sadd.s32 s4, s3  }
0x9: {  	s10 =	simm.s32 $0x0;
	s15 =	simm.s32 $0x0;
	s6 =	smul.u32 s3, s5  }
.Ltmp0:
0xa: {  	s17 =	simm.s32 $0x0;
	s4 =	rddreg [dreg:$0x1];
	(pc) =	sbr.rel .LBB1_1-.Ltmp0, $4  }
0xb: {  	s11 =	simm.s32 $0x0;
	s14 =	simm.s32 $0x0;
	s3 =	rddreg [dreg:$0x2]  }
0xc: {  	_ =	strace $0x8000004A;
	s5 =	simm.s32 $0x1;
	s6 =	smul.u32 $0x6, s6  }
0xd: {  	s7 =	sadd.s32 $0x800, s7;
	s13 =	smov.u32 s1;
	[sflag:s5] =	ssyncpa.u1 $0x0  }
0xe: {  	s12 =	smov.u32 s2;
	[sflag:s8] =	ssyncpa.u1 $0x0;
	s8 =	sor.u32 $0x1, s6  }
.LBB1_4:
0xf: {  	_ =	sdelay $0x2  }
0x10: {  	s21 =	sshrl.u32 s17, $0x3  }
0x11: {  	[tilespmem:v0+s20+$0xFFFFFFD0 ss:$0x1] =	vst.idx.msk $0xffff, v7;
	s22 =	sshll.u32 s16, $0x3;
	s21 =	smul.u32 $0x1800, s21  }
0x12: {  	v56 =	vld.idx.msk [tilespmem:v1+s19+$0x0 ss:$0x1], $0xffff;
	[tilespmem:v0+s20+$0xFFFFFFE0 ss:$0x1] =	vst.idx.msk $0xffff, v5;
	s27 =	sshll.u32 s17, $0x7;
	s22 =	sand.u32 $0xFFFFFC00, s22  }
0x13: {  	v57 =	vld.idx.msk [tilespmem:v1+s19+$0xFFFFFF90 ss:$0x1], $0xffff;
	[tilespmem:v0+s20+$0xFFFFFFF0 ss:$0x1] =	vst.idx.msk $0xffff, v4;
	s17 =	sand.u32 $0x380, s27;
	s21 =	sadd.s32 s21, s22  }
0x14: {  	v58 =	vld.idx.msk [tilespmem:v1+s19+$0xFFFFFFA0 ss:$0x1], $0xffff;
	[tilespmem:v0+s20+$0x0 ss:$0x1] =	vst.idx.msk $0xffff, v2;
	s28 =	sand.u32 $0x7F, s16;
	s17 =	sor.u32 s17, s21  }
0x15: {  	v59 =	vld.idx.msk [tilespmem:v1+s19+$0xFFFFFFB0 ss:$0x1], $0xffff;
	[tilespmem:v0+s20+$0x10 ss:$0x1] =	vst.idx.msk $0xffff, v3;
	s16 =	sor.u32 s28, s17  }
0x16: {  	v60 =	vld.idx.msk [tilespmem:v1+s19+$0xFFFFFFC0 ss:$0x1], $0xffff;
	[tilespmem:v0+s20+$0x20 ss:$0x1] =	vst.idx.msk $0xffff, v6;
	s29 =	smulhi.u32 $0xAAAAAAAB, s16  }
0x17: {  	v61 =	vld.idx.msk [tilespmem:v1+s19+$0xFFFFFFD0 ss:$0x1], $0xffff;
	[tilespmem:v0+s19+$0x30 ss:$0x1] =	vst.idx.msk $0xffff, v56;
	s17 =	smulhi.u32 $0xAAAAAAAB, s17  }
0x18: {  	v62 =	vld.idx.msk [tilespmem:v1+s19+$0xFFFFFFE0 ss:$0x1], $0xffff;
	[tilespmem:v0+s19+$0xFFFFFFC0 ss:$0x1] =	vst.idx.msk $0xffff, v57;
	s20 =	sshrl.u32 s29, $0x9  }
0x19: {  	v63 =	vld.idx.msk [tilespmem:v1+s19+$0xFFFFFFF0 ss:$0x1], $0xffff;
	[tilespmem:v0+s19+$0xFFFFFFD0 ss:$0x1] =	vst.idx.msk $0xffff, v58;
	s17 =	sshrl.u32 s17, $0x9;
	s20 =	smul.u32 $0x300, s20  }
0x1a: {  	s15 =	smul.u32 $0x18000, s15;
	[tilespmem:v0+s19+$0xFFFFFFE0 ss:$0x1] =	vst.idx.msk $0xffff, v59;
	s17 =	sand.u32 $0x3FF, s17  }
0x1b: {  	[tilespmem:v0+s19+$0xFFFFFFF0 ss:$0x1] =	vst.idx.msk $0xffff, v60;
	s17 =	smul.u32 $0x60, s17;
	s16 =	ssub.s32 s16, s20  }
0x1c: {  	s15 =	sadd.s32 s4, s15;
	[tilespmem:v0+s19+$0x0 ss:$0x1] =	vst.idx.msk $0xffff, v61;
	s20 =	sand.u32 $0x7, s16  }
0x1d: {  	[tilespmem:v0+s19+$0x10 ss:$0x1] =	vst.idx.msk $0xffff, v62;
	s15 =	sadd.s32 s17, s15;
	s16 =	sshrl.u32 s16, $0x3;
	s30 =	sshll.u32 s20, $0x12  }
0x1e: {  	[tilespmem:v0+s19+$0x20 ss:$0x1] =	vst.idx.msk $0xffff, v63;
	s15 =	sadd.s32 s16, s15;
	s31 =	sor.u32 $0x400, s30  }
0x1f: {  	[hbm4b:s15+s31] =	stream.strided.scatter [tilespmem:s18], [sflag:$0x2], $0x4000, s9, s31, $0x38;
	[tilespmem:$0x10000] =	vst v63  }
.LBB1_5:
0x20: {  	s18 =	sadd.s32 $0x80, s11  }
0x21: {  	s15 =	sadd.s32 $0x4, s12;
	s19 =	smov.u32 s12;
	p1 =	sgt.s32 s18, $0x2FF  }
0x22: {  	s19 =	smov.u32 @p1 s15  }
0x23: {  	s21 =	smov.u32 s13;
	s15 =	sadd.s32 $0x400, s13;
	p2 =	sgt.s32 s19, $0x31  }
0x24: {  	s21 =	smov.u32 @p2 s15  }
0x25: {  	s18 =	simm.s32 @p1 $0x0;
	p1 =	sgt.s32 s21, $0x3FF  }
0x26: {  	p0 =	slt.u32 s14, $0x2;
	s21 =	smov.u32 @p1 s1;
	p1 =	sne.s32 s14, s8  }
.Ltmp1:
0x27: {  	s20 =	simm.s32 @!p0 $0x2;
	(pc) =	sbr.rel @!p1 .LBB1_6-.Ltmp1, $4  }
0x28: {  	s16 =	smov.u32 s11;
	s17 =	smov.u32 s13;
	_ =	swait.ge @!p0 [sflag:s20], $0x4000  }
0x29: {  	s10 =	sadd.s32 $0x4000, s10;
	[sflag:s20] =	ssyncset.done @!p0 $0x0;
	s11 =	smov.u32 s18  }
0x2a: {  	s19 =	smov.u32 @p2 s2;
	s15 =	smov.u32 s12;
	[sflag:s20] =	ssyncadd.s32 @!p0 $0xFFFFC000  }
0x2b: {  	s12 =	smov.u32 s19;
	s14 =	sadd.s32 $0x1, s14;
	s13 =	smov.u32 s21  }
.LBB1_1:
0x2c: {  	p0 =	sge.u32 s14, s6  }
0x2d: {  	s18 =	sshrl.u32 @!p0 s12, $0x3  }
0x2e: {  	s19 =	sshll.u32 @!p0 s11, $0x3;
	s18 =	smul.u32 @!p0 $0x1800, s18  }
0x2f: {  	s20 =	sshll.u32 @!p0 s12, $0x7;
	s19 =	sand.u32 @!p0 $0xFFFFFC00, s19  }
0x30: {  	s18 =	sadd.s32 @!p0 s18, s19;
	s19 =	sand.u32 @!p0 $0x380, s20  }
0x31: {  	s18 =	sor.u32 @!p0 s19, s18  }
0x32: {  	s19 =	sand.u32 @!p0 $0x7F, s11;
	s20 =	smulhi.u32 @!p0 $0xAAAAAAAB, s18  }
0x33: {  	s18 =	sor.u32 @!p0 s19, s18  }
0x34: {  	s19 =	smulhi.u32 @!p0 $0xAAAAAAAB, s18;
	s20 =	sshrl.u32 @!p0 s20, $0x9  }
0x35: {  	s21 =	smulhi.u32 @!p0 $0x4924925, s20;
	_ =	sdelay $0x1  }
0x36: {  	s19 =	sshrl.u32 @!p0 s19, $0x9;
	s21 =	smul.u32 @!p0 $0x38, s21  }
0x37: {  	s31 =	sadd.s32 $0xFFFFFFFF, s14;
	s19 =	smul.u32 @!p0 $0x300, s19  }
0x38: {  	s22 =	sxor.u32 @!p0 $0xFFFFFFFF, s14;
	s20 =	ssub.s32 @!p0 s20, s21;
	s21 =	smul.u32 @!p0 $0x1500, s13  }
0x39: {  	s22 =	sshll.u32 @!p0 s22, $0xE;
	s18 =	ssub.s32 @!p0 s18, s19;
	s19 =	smul.u32 @!p0 $0x60, s20  }
0x3a: {  	s20 =	sand.u32 @!p0 $0x4000, s22;
	s22 =	sand.u32 @!p0 $0x7, s18;
	s21 =	sadd.s32 @!p0 s7, s21  }
0x3b: {  	s18 =	sshrl.u32 @!p0 s18, $0x3;
	s19 =	sadd.s32 @!p0 s19, s21;
	s21 =	sshll.u32 @!p0 s22, $0x12  }
0x3c: {  	s18 =	sadd.s32 @!p0 s18, s19;
	s19 =	sor.u32 @!p0 $0x80, s21;
	s21 =	simm.s32 @!p0 $0xA800  }
0x3d: {  	[tilespmem:s20], [sflag:$0x1] =	stream.strided.gather @!p0 [hbm4b:s18+s19], $0x4000, s21, s19, $0x38;
	[tilespmem:$0x10000] =	vst v63  }
0x3e: {  	p0 =	sge.u32 s31, s6  }
.Ltmp2:
0x3f: {  	_ = 	snop;
	(pc) =	sbr.rel @p0 .LBB1_5-.Ltmp2, $1  }
0x40: {  	_ =	sdelay $0x3  }
0x41: {  	s18 =	sand.u32 $0x4000, s10  }
0x42: {  	s19 =	sor.u32 $0x70, s18  }
0x43: {  	v1 =	vmov s19;
	_ =	sdelay $0x1  }
0x44: {  	_ =	swait.ge [sflag:s5], $0x4000  }
0x45: {  	[sflag:s5] =	ssyncset.done $0x0  }
0x46: {  	s20 =	simm.s32 $0x0;
	[sflag:s5] =	ssyncadd.s32 $0xFFFFC000  }
0x47: {  	s18 =	sor.u32 $0x8040, s18;
	v6 =	vld.idx.msk [tilespmem:v1+s20+$0x0 ss:$0x1], $0xffff  }
0x48: {  	v0 =	vmov s18;
	v8 =	vld.idx.msk [tilespmem:v1+s20+$0xFFFFFF90 ss:$0x1], $0xffff  }
0x49: {  	v7 =	vld.idx.msk [tilespmem:v1+s20+$0xFFFFFFA0 ss:$0x1], $0xffff  }
0x4a: {  	v5 =	vld.idx.msk [tilespmem:v1+s20+$0xFFFFFFB0 ss:$0x1], $0xffff  }
0x4b: {  	v4 =	vld.idx.msk [tilespmem:v1+s20+$0xFFFFFFC0 ss:$0x1], $0xffff  }
0x4c: {  	s31 =	sshll.u32 s14, $0xE;
	v2 =	vld.idx.msk [tilespmem:v1+s20+$0xFFFFFFD0 ss:$0x1], $0xffff  }
0x4d: {  	s18 =	sand.u32 $0x4000, s31;
	v3 =	vld.idx.msk [tilespmem:v1+s20+$0xFFFFFFE0 ss:$0x1], $0xffff;
	[tilespmem:v0+s20+$0x30 ss:$0x1] =	vst.idx.msk $0xffff, v6  }
0x4e: {  	s21 =	simm.s32 $0x400;
	s19 =	simm.s32 $0x80;
	s18 =	sor.u32 $0x8000, s18;
	[tilespmem:v0+s20+$0xFFFFFFC0 ss:$0x1] =	vst.idx.msk $0xffff, v8;
	v6 =	vld.idx.msk [tilespmem:v1+s20+$0xFFFFFFF0 ss:$0x1], $0xffff  }
.LBB1_3:
0x4f: {  	p0 =	sne.s32 s21, $0xFE00;
	v8 =	vld.idx.msk [tilespmem:v1+s19+$0x0 ss:$0x1], $0xffff;
	[tilespmem:v0+s20+$0xFFFFFFD0 ss:$0x1] =	vst.idx.msk $0xffff, v7  }
0x50: {  	v9 =	vld.idx.msk [tilespmem:v1+s19+$0xFFFFFF90 ss:$0x1], $0xffff;
	[tilespmem:v0+s20+$0xFFFFFFE0 ss:$0x1] =	vst.idx.msk $0xffff, v5  }
0x51: {  	v7 =	vld.idx.msk [tilespmem:v1+s19+$0xFFFFFFA0 ss:$0x1], $0xffff;
	[tilespmem:v0+s20+$0xFFFFFFF0 ss:$0x1] =	vst.idx.msk $0xffff, v4  }
.Ltmp3:
0x52: {  	v5 =	vld.idx.msk [tilespmem:v1+s19+$0xFFFFFFB0 ss:$0x1], $0xffff;
	[tilespmem:v0+s20+$0x0 ss:$0x1] =	vst.idx.msk $0xffff, v2;
	(pc) =	sbr.rel @p0 .LBB1_3-.Ltmp3, $4  }
0x53: {  	v4 =	vld.idx.msk [tilespmem:v1+s19+$0xFFFFFFC0 ss:$0x1], $0xffff;
	[tilespmem:v0+s20+$0x10 ss:$0x1] =	vst.idx.msk $0xffff, v3  }
0x54: {  	v2 =	vld.idx.msk [tilespmem:v1+s19+$0xFFFFFFD0 ss:$0x1], $0xffff;
	[tilespmem:v0+s20+$0x20 ss:$0x1] =	vst.idx.msk $0xffff, v6;
	s20 =	smov.u32 s19  }
0x55: {  	v3 =	vld.idx.msk [tilespmem:v1+s20+$0xFFFFFFE0 ss:$0x1], $0xffff;
	[tilespmem:v0+s20+$0x30 ss:$0x1] =	vst.idx.msk $0xffff, v8  }
0x56: {  	s19 =	sshra.s32 s21, $0x2;
	s21 =	sadd.s32 $0x200, s21;
	[tilespmem:v0+s20+$0xFFFFFFC0 ss:$0x1] =	vst.idx.msk $0xffff, v9;
	v6 =	vld.idx.msk [tilespmem:v1+s20+$0xFFFFFFF0 ss:$0x1], $0xffff  }
.Ltmp4:
0x57: {  	_ = 	snop;
	(pc) =	sbr.rel .LBB1_4-.Ltmp4, $1  }
0x58: {  	_ =	sdelay $0x3  }
.LBB1_6:
0x59: {  	_ =	sfence.sel $0x180000  }
0x5a: {  	s1 =	simm.s32 $0x1;
	[bflag:$0x0] =	sbarrier.arrive $0xFFFF  }
0x5b: {  	s31 =	simm.s32 $0x2;
	[sflag:s1] =	ssyncpa.u1 $0x1  }
0x5c: {  	[sflag:s31] =	ssyncpa.u1 $0x1  }
0x5d: {  	p0 =	sne.s32 s0, $0x0;
	_ =	strace $0x9000004A  }
0x5e: {  	s0 =	sadd.s32 @!p0 $0x100000, s3;
	[bflag:$0x2] =	sbarrier.arrive $0xFFFF  }
0x5f: {  	[sflag:s0] =	ssyncadd.tile.s32 @!p0 $0x1;
	_ =	shalt  }
.Lfunc_end1:
_tile_overlayer_lowered:
.L_overlay_start_2:
0x60: {  	(tag) =	ssettag $0x2  }
0x61: {  	s0 =	rddreg [dreg:$0x0];
	s2 =	stileid.u32  }
0x62: {  	s1 =	rddreg [dreg:$0x1];
	p0 =	sne.s32 s2, $0x0  }
0x63: {  	s3 =	rddreg [dreg:$0x2];
	[bflag:$0x3] =	sbarrier.arrive $0xFFFF;
	s2 =	simm.s32 @!p0 $0x1C01  }
0x64: {  	[timem:s3], [sflag:s2] =	dma.local @!p0 [hbm:s0], s1  }
0x65: {  	s0 =	simm.s32 @!p0 $0x1  }
0x66: {  	_ =	swait.ge @!p0 [sflag:s0], s1  }
0x67: {  	s1 =	ssub.s32 @!p0 $0x0, s1;
	[sflag:s0] =	ssyncset.done @!p0 $0x0  }
0x68: {  	[sflag:s0] =	ssyncadd.s32 @!p0 s1  }
0x69: {  	[bflag:$0x3] =	sbarrier.arrive $0xFFFF  }
0x6a: {  	_ =	shalt  }

</sc_bundles>
